<compile_context>
chip_gen: v7x
topology: tpu7x:2x2x1
jax: 0.10.2.dev20260603
libtpu: 0.0.44.dev20260713+nightly
codegen_flags: <defaults>
</compile_context>

<pallas_src>
import functools

import jax
import jax.numpy as jnp
from jax import lax
from jax.experimental import pallas as pl
from jax.experimental.pallas import tpu as pltpu
from jax.experimental.pallas import tpu_sc as plsc

BLK = 512
CH = 128
TPW = 256


def _lower_incl(n):
    ri = lax.broadcasted_iota(jnp.int32, (n, n), 0)
    ci = lax.broadcasted_iota(jnp.int32, (n, n), 1)
    return (ci <= ri).astype(jnp.float32)


def _upper_incl(n):
    ri = lax.broadcasted_iota(jnp.int32, (n, n), 0)
    ci = lax.broadcasted_iota(jnp.int32, (n, n), 1)
    return (ri <= ci).astype(jnp.float32)


def _router_meta_body(nt_pad, x_ref, rw_ref, xs_ref, pos_ref, tm_ref, te_ref,
                      tf_ref, rl_ref, rh_ref, ei_s, lp_s, hist_s):
    m = pl.program_id(0)
    M, E = hist_s.shape

    @pl.when(m < M)
    def _router():
        x = x_ref[...]
        logits = jnp.dot(x, rw_ref[...], preferred_element_type=jnp.float32)
        iota_e = lax.broadcasted_iota(jnp.int32, logits.shape, 1)
        mx = jnp.max(logits, axis=1, keepdims=True)
        p = 1.0 / jnp.sum(jnp.exp(logits - mx), axis=1)
        amax = jnp.min(jnp.where(logits == mx, iota_e, E), axis=1)
        onehot = (amax[:, None] == iota_e).astype(jnp.float32)
        tri = (lax.broadcasted_iota(jnp.int32, (BLK, BLK), 0)
               > lax.broadcasted_iota(jnp.int32, (BLK, BLK), 1)).astype(
                   jnp.float32)
        ranks = jnp.dot(tri, onehot, preferred_element_type=jnp.float32)
        local_pos = jnp.sum(ranks * onehot, axis=1)
        xs_ref[...] = x * p[:, None]
        ei_s[m, :] = amax
        lp_s[m, :] = local_pos.astype(jnp.int32)
        hist_s[m, :] = jnp.sum(onehot, axis=0)

    @pl.when(m == M)
    def _meta():
        hist = hist_s[...]
        col_cum = jnp.dot(_lower_incl(M), hist,
                          preferred_element_type=jnp.float32,
                          precision=lax.Precision.HIGHEST)
        col_prefix = col_cum - hist
        counts = jnp.sum(hist, axis=0, keepdims=True)
        c_end = jnp.dot(counts, _upper_incl(E),
                        preferred_element_type=jnp.float32,
                        precision=lax.Precision.HIGHEST)
        c_excl = c_end - counts
        base = c_excl + col_prefix

        ei = ei_s[...]
        lp = lp_s[...]
        acc = jnp.zeros(ei.shape, jnp.float32)
        for e in range(E):
            acc = acc + jnp.where(ei == e, base[:, e:e + 1], 0.0)
        pos_ref[...] = (acc.astype(jnp.int32) + lp).reshape(pos_ref.shape)

        e_ge1 = lax.broadcasted_iota(jnp.int32, (M, E), 1) >= 1
        m_start = (lax.broadcasted_iota(jnp.int32, (M, E), 0) * BLK).astype(
            jnp.float32)
        ef = jnp.sum(((c_excl <= m_start) & e_ge1).astype(jnp.int32), axis=1)
        el = jnp.sum(((c_excl <= m_start + (BLK - 1)) & e_ge1).astype(
            jnp.int32), axis=1)
        cnt = (el - ef + 1).reshape(1, M).astype(jnp.float32)
        st_incl = jnp.dot(cnt, _upper_incl(M),
                          preferred_element_type=jnp.float32,
                          precision=lax.Precision.HIGHEST)
        st = (st_incl - cnt).astype(jnp.int32)
        nt_act = jnp.sum(cnt.astype(jnp.int32))

        ti = lax.broadcasted_iota(jnp.int32, (nt_pad, M), 0)
        m_i = jnp.sum((st <= ti).astype(jnp.int32), axis=1) - 1
        onehot_m = (m_i[:, None] == lax.broadcasted_iota(
            jnp.int32, (nt_pad, M), 1)).astype(jnp.int32)
        ef_g = jnp.sum(onehot_m * ef[None, :], axis=1)
        st_g = jnp.sum(onehot_m * st, axis=1)
        i_vec = jnp.max(ti, axis=1)
        e_i = jnp.clip(ef_g + (i_vec - st_g), 0, E - 1)
        active = i_vec < nt_act
        first = ((i_vec == st_g) & active).astype(jnp.int32)
        onehot_e = (e_i[:, None] == lax.broadcasted_iota(
            jnp.int32, (nt_pad, E), 1)).astype(jnp.float32)
        ce_g = jnp.sum(onehot_e * c_excl, axis=1)
        cend_g = jnp.sum(onehot_e * c_end, axis=1)
        m_base = (m_i * BLK).astype(jnp.float32)
        lo = jnp.maximum(ce_g, m_base) - m_base
        hi = jnp.minimum(cend_g, m_base + BLK) - m_base
        lo = jnp.where(active, lo, 0.0).astype(jnp.int32)
        hi = jnp.where(active, hi, 0.0).astype(jnp.int32)
        tm_ref[...] = m_i.reshape(1, nt_pad)
        te_ref[...] = e_i.reshape(1, nt_pad)
        tf_ref[...] = first.reshape(1, nt_pad)
        rl_ref[...] = lo.reshape(1, nt_pad)
        rh_ref[...] = hi.reshape(1, nt_pad)


def _ffn_body(tm_ref, te_ref, tf_ref, rl_ref, rh_ref,
              x_ref, wi_ref, wo_ref, out_ref):
    i = pl.program_id(0)
    lo = rl_ref[0, i]
    hi = rh_ref[0, i]
    first = tf_ref[0, i]
    r = lax.broadcasted_iota(jnp.int32, (BLK, 1), 0)
    mask = (r >= lo) & (r < hi)
    x = x_ref[...]
    h = jnp.dot(x, wi_ref[0], preferred_element_type=jnp.float32)
    h = jnp.where(mask, jnp.maximum(h, 0.0), 0.0)
    y = jnp.dot(h, wo_ref[0], preferred_element_type=jnp.float32)

    @pl.when(first == 1)
    def _():
        out_ref[...] = y

    @pl.when(first == 0)
    def _():
        out_ref[...] += y


def _make_sc_dispatch(T, D):
    mesh = plsc.VectorSubcoreMesh(core_axis_name="c", subcore_axis_name="s")

    @functools.partial(
        pl.kernel,
        mesh=mesh,
        out_type=jax.ShapeDtypeStruct((T, D), jnp.float32),
        scratch_types=[
            pltpu.VMEM((TPW // CH, CH), jnp.int32),
            pltpu.VMEM((CH, D), jnp.float32),
            pltpu.SemaphoreType.DMA,
        ],
    )
    def dispatch(x_hbm, pos_hbm, xs_hbm, idx_v, rows_v, sem):
        wid = lax.axis_index("s") * 2 + lax.axis_index("c")
        for ch in range(TPW // CH):
            t0 = wid * TPW + ch * CH
            pltpu.sync_copy(pos_hbm.at[pl.ds(t0, CH)], idx_v.at[ch])
            pltpu.sync_copy(x_hbm.at[pl.ds(t0, CH)], rows_v)
            pltpu.async_copy(rows_v, xs_hbm.at[idx_v.at[ch]], sem).wait()

    return dispatch


def _make_sc_combine(T, D):
    mesh = plsc.VectorSubcoreMesh(core_axis_name="c", subcore_axis_name="s")

    @functools.partial(
        pl.kernel,
        mesh=mesh,
        out_type=jax.ShapeDtypeStruct((T, D), jnp.float32),
        scratch_types=[
            pltpu.VMEM((TPW // CH, CH), jnp.int32),
            pltpu.VMEM((CH, D), jnp.float32),
            pltpu.SemaphoreType.DMA,
        ],
    )
    def combine(os_hbm, pos_hbm, out_hbm, idx_v, rows_v, sem):
        wid = lax.axis_index("s") * 2 + lax.axis_index("c")
        for ch in range(TPW // CH):
            t0 = wid * TPW + ch * CH
            pltpu.sync_copy(pos_hbm.at[pl.ds(t0, CH)], idx_v.at[ch])
            pltpu.async_copy(os_hbm.at[idx_v.at[ch]], rows_v, sem).wait()
            pltpu.sync_copy(rows_v, out_hbm.at[pl.ds(t0, CH)])

    return combine


def kernel(hidden_states, router_w, wi, wo):
    B, S, D = hidden_states.shape
    E, _, F = wi.shape
    T = B * S
    M = T // BLK
    NT = M + E - 1
    NT_PAD = NT
    x = hidden_states.reshape(T, D)

    xs, pos3, tm, te, tf, rl, rh = pl.pallas_call(
        functools.partial(_router_meta_body, NT_PAD),
        grid=(M + 1,),
        in_specs=[
            pl.BlockSpec((BLK, D), lambda m: (jnp.minimum(m, M - 1), 0)),
            pl.BlockSpec((D, E), lambda m: (0, 0)),
        ],
        out_specs=[
            pl.BlockSpec((BLK, D), lambda m: (jnp.minimum(m, M - 1), 0)),
            pl.BlockSpec((M, 1, BLK), lambda m: (0, 0, 0)),
            pl.BlockSpec((1, NT_PAD), lambda m: (0, 0)),
            pl.BlockSpec((1, NT_PAD), lambda m: (0, 0)),
            pl.BlockSpec((1, NT_PAD), lambda m: (0, 0)),
            pl.BlockSpec((1, NT_PAD), lambda m: (0, 0)),
            pl.BlockSpec((1, NT_PAD), lambda m: (0, 0)),
        ],
        out_shape=[
            jax.ShapeDtypeStruct((T, D), jnp.float32),
            jax.ShapeDtypeStruct((M, 1, BLK), jnp.int32),
            jax.ShapeDtypeStruct((1, NT_PAD), jnp.int32),
            jax.ShapeDtypeStruct((1, NT_PAD), jnp.int32),
            jax.ShapeDtypeStruct((1, NT_PAD), jnp.int32),
            jax.ShapeDtypeStruct((1, NT_PAD), jnp.int32),
            jax.ShapeDtypeStruct((1, NT_PAD), jnp.int32),
        ],
        scratch_shapes=[
            pltpu.VMEM((M, BLK), jnp.int32),
            pltpu.VMEM((M, BLK), jnp.int32),
            pltpu.VMEM((M, E), jnp.float32),
        ],
    )(x, router_w)

    pos = pos3.reshape(T)

    x_sorted = _make_sc_dispatch(T, D)(xs, pos)

    out_sorted = pl.pallas_call(
        _ffn_body,
        grid_spec=pltpu.PrefetchScalarGridSpec(
            num_scalar_prefetch=5,
            grid=(NT_PAD,),
            in_specs=[
                pl.BlockSpec((BLK, D),
                             lambda i, tm, te, tf, rl, rh: (tm[0, i], 0)),
                pl.BlockSpec((1, D, F),
                             lambda i, tm, te, tf, rl, rh: (te[0, i], 0, 0)),
                pl.BlockSpec((1, F, D),
                             lambda i, tm, te, tf, rl, rh: (te[0, i], 0, 0)),
            ],
            out_specs=pl.BlockSpec(
                (BLK, D), lambda i, tm, te, tf, rl, rh: (tm[0, i], 0)),
        ),
        out_shape=jax.ShapeDtypeStruct((T, D), jnp.float32),
    )(tm, te, tf, rl, rh, x_sorted, wi, wo)

    out = _make_sc_combine(T, D)(out_sorted, pos)
    return out.reshape(B, S, D)

# --- scband reference (transcript-rebuilt; emitter-appended) ---
"""Pipeline reference for scband-switch-transformers-sparse-mlp-10831907520601 (READ-ONLY COPY).

The authoritative reference and input builder live on the scoring server;
editing this copy changes nothing except your own understanding.
"""

import jax, jax.numpy as jnp
import numpy as np

NUM_EXPERTS = 8
EXPERT_CAPACITY = 64
D_MODEL = 768
D_FF = 1024
BATCH = 4
SEQ = 2048


def setup_inputs(seed: int = 0) -> dict:
    key = jax.random.key(seed)
    k1, k2, k3, k4 = jax.random.split(key, 4)
    hidden_states = jax.random.normal(k1, (BATCH, SEQ, D_MODEL), dtype=jnp.float32)
    router_w = jax.random.normal(k2, (D_MODEL, NUM_EXPERTS), dtype=jnp.float32) * 0.02
    wi = jax.random.normal(k3, (NUM_EXPERTS, D_MODEL, D_FF), dtype=jnp.float32) * 0.02
    wo = jax.random.normal(k4, (NUM_EXPERTS, D_FF, D_MODEL), dtype=jnp.float32) * 0.02
    return {"hidden_states": hidden_states, "router_w": router_w, "wi": wi, "wo": wo}


def reference(hidden_states, router_w, wi, wo):
    B, S, D = hidden_states.shape
    x = hidden_states.reshape(-1, D)  # [T, D]
    # --- Top-1 router (eval mode: no jitter, no dropout) ---
    router_logits = x @ router_w  # [T, E] in float32 (router_dtype)
    router_probs = jax.nn.softmax(router_logits, axis=-1)
    max_prob = jnp.max(router_probs, axis=-1)  # [T] routing weight
    expert_idx = jnp.argmax(router_probs, axis=-1)  # [T]
    # Capacity mask: hidden_states is flattened to [T, D] before the router,
    # so token_priority = cumsum(one_hot, dim=-2) runs over a size-1 axis and
    # equals the one-hot itself (values 0/1). With expert_capacity >= 1 the
    # mask is all True, so every token keeps its top-1 expert assignment.
    keep = jnp.ones_like(max_prob) if EXPERT_CAPACITY >= 1 else jnp.zeros_like(max_prob)
    # --- Expert dispatch / combine (index_add equivalent, dense masked form) ---
    out = jnp.zeros_like(x)
    for ei in range(NUM_EXPERTS):
        mask = (expert_idx == ei).astype(x.dtype) * keep
        w = max_prob * mask  # [T]
        h = jax.nn.relu(x @ wi[ei])
        y = h @ wo[ei]
        out = out + y * w[:, None]
    return out.reshape(B, S, D)

if __name__ == "__main__":
    import jax
    _d = setup_inputs()
    print(jax.jit(kernel)(*tuple(_d.values())))

</pallas_src>

<mosaic_0001>
#map = affine_map<(d0, d1) -> (0, 0)>
#map1 = affine_map<(d0, d1) -> (0)>
module attributes {stable_mosaic.version = 14 : i64} {
  func.func @dispatch(%arg0: i32, %arg1: i32, %arg2: memref<8192x768xf32, #tpu.memory_space<hbm>>, %arg3: memref<8192xi32, #tpu.memory_space<hbm>>, %arg4: memref<8192x768xf32, #tpu.memory_space<hbm>>, %arg5: memref<2x128xi32, #tpu.memory_space<vmem>>, %arg6: memref<128x768xf32, #tpu.memory_space<vmem>>, %arg7: memref<!tpu.dma_semaphore, #tpu.memory_space<semaphore_mem>>) attributes {dimension_semantics = [#tpu.dimension_semantics<core_parallel>, #tpu.dimension_semantics<subcore_parallel>], iteration_bounds = array<i64: 2, 16>, scalar_prefetch = 0 : i64, scratch_operands = 3 : i64, tpu.core_type = #tpu.core_type<sc_vector_subcore>, window_params = [{transform_indices = #map}, {transform_indices = #map1}, {transform_indices = #map}]} {
    %mul3A = arith.constant 2 : i32
    %mul3A_0 = arith.muli %arg1, %mul3A : i32
    %add3A = arith.addi %mul3A_0, %arg0 : i32
    %mul3A_1 = arith.constant 256 : i32
    %mul3A_2 = arith.muli %add3A, %mul3A_1 : i32
    %add3A_3 = arith.constant 0 : i32
    %add3A_4 = arith.addi %mul3A_2, %add3A_3 : i32
    %run_scoped3A = arith.constant 0 : i32
    "tpu.region"() ({
      %run_scoped3A_36 = tpu.sem_alloc : memref<!tpu.dma_semaphore, #tpu.memory_space<semaphore_mem>>
      %dma_start3A_37 = arith.constant 0 : i32
      %dma_start3A_38 = tpu.memref_slice %arg5[%run_scoped3A, %dma_start3A_37] : memref<2x128xi32, #tpu.memory_space<vmem>> -> memref<1x128xi32, #tpu.memory_space<vmem>>
      %dma_start3A_39 = tpu.memref_squeeze %dma_start3A_38 : memref<1x128xi32, #tpu.memory_space<vmem>> -> memref<128xi32, #tpu.memory_space<vmem>>
      %dma_start3A_40 = tpu.memref_slice %arg3[%add3A_4] : memref<8192xi32, #tpu.memory_space<hbm>> -> memref<128xi32, #tpu.memory_space<hbm>>
      %dma_start3A_41 = arith.constant 0 : i32
      %dma_start3A_42 = tpu.memref_slice %arg5[%run_scoped3A, %dma_start3A_41] : memref<2x128xi32, #tpu.memory_space<vmem>> -> memref<1x128xi32, #tpu.memory_space<vmem>>
      %dma_start3A_43 = tpu.memref_squeeze %dma_start3A_42 : memref<1x128xi32, #tpu.memory_space<vmem>> -> memref<128xi32, #tpu.memory_space<vmem>>
      %dma_start3A_44 = tpu.memref_slice %arg3[%add3A_4] : memref<8192xi32, #tpu.memory_space<hbm>> -> memref<128xi32, #tpu.memory_space<hbm>>
      tpu.enqueue_dma source(%dma_start3A_44 : memref<128xi32, #tpu.memory_space<hbm>>) target(%dma_start3A_43 : memref<128xi32, #tpu.memory_space<vmem>>) target_semaphore(%run_scoped3A_36 : memref<!tpu.dma_semaphore, #tpu.memory_space<semaphore_mem>>)
      %dma_wait3A_45 = arith.constant 0 : i32
      %dma_wait3A_46 = tpu.memref_slice %arg5[%run_scoped3A, %dma_wait3A_45] : memref<2x128xi32, #tpu.memory_space<vmem>> -> memref<1x128xi32, #tpu.memory_space<vmem>>
      %dma_wait3A_47 = tpu.memref_squeeze %dma_wait3A_46 : memref<1x128xi32, #tpu.memory_space<vmem>> -> memref<128xi32, #tpu.memory_space<vmem>>
      %dma_wait3A_48 = tpu.memref_slice %arg3[%add3A_4] : memref<8192xi32, #tpu.memory_space<hbm>> -> memref<128xi32, #tpu.memory_space<hbm>>
      %dma_wait3A_49 = arith.constant 0 : i32
      %dma_wait3A_50 = tpu.memref_slice %arg5[%run_scoped3A, %dma_wait3A_49] : memref<2x128xi32, #tpu.memory_space<vmem>> -> memref<1x128xi32, #tpu.memory_space<vmem>>
      %dma_wait3A_51 = tpu.memref_squeeze %dma_wait3A_50 : memref<1x128xi32, #tpu.memory_space<vmem>> -> memref<128xi32, #tpu.memory_space<vmem>>
      %dma_wait3A_52 = tpu.memref_slice %arg3[%add3A_4] : memref<8192xi32, #tpu.memory_space<hbm>> -> memref<128xi32, #tpu.memory_space<hbm>>
      tpu.wait_dma2 semaphore(%run_scoped3A_36 : memref<!tpu.dma_semaphore, #tpu.memory_space<semaphore_mem>>) src(%dma_wait3A_52 : memref<128xi32, #tpu.memory_space<hbm>>) dst(%dma_wait3A_51 : memref<128xi32, #tpu.memory_space<vmem>>)
      tpu.yield
    }) : () -> ()
    "tpu.region"() ({
      %run_scoped3A_36 = tpu.sem_alloc : memref<!tpu.dma_semaphore, #tpu.memory_space<semaphore_mem>>
      %dma_start3A_37 = arith.constant 0 : i32
      %dma_start3A_38 = tpu.memref_slice %arg2[%add3A_4, %dma_start3A_37] : memref<8192x768xf32, #tpu.memory_space<hbm>> -> memref<128x768xf32, #tpu.memory_space<hbm>>
      %dma_start3A_39 = arith.constant 0 : i32
      %dma_start3A_40 = tpu.memref_slice %arg2[%add3A_4, %dma_start3A_39] : memref<8192x768xf32, #tpu.memory_space<hbm>> -> memref<128x768xf32, #tpu.memory_space<hbm>>
      tpu.enqueue_dma source(%dma_start3A_40 : memref<128x768xf32, #tpu.memory_space<hbm>>) target(%arg6 : memref<128x768xf32, #tpu.memory_space<vmem>>) target_semaphore(%run_scoped3A_36 : memref<!tpu.dma_semaphore, #tpu.memory_space<semaphore_mem>>)
      %dma_wait3A_41 = arith.constant 0 : i32
      %dma_wait3A_42 = tpu.memref_slice %arg2[%add3A_4, %dma_wait3A_41] : memref<8192x768xf32, #tpu.memory_space<hbm>> -> memref<128x768xf32, #tpu.memory_space<hbm>>
      %dma_wait3A_43 = arith.constant 0 : i32
      %dma_wait3A_44 = tpu.memref_slice %arg2[%add3A_4, %dma_wait3A_43] : memref<8192x768xf32, #tpu.memory_space<hbm>> -> memref<128x768xf32, #tpu.memory_space<hbm>>
      tpu.wait_dma2 semaphore(%run_scoped3A_36 : memref<!tpu.dma_semaphore, #tpu.memory_space<semaphore_mem>>) src(%dma_wait3A_44 : memref<128x768xf32, #tpu.memory_space<hbm>>) dst(%arg6 : memref<128x768xf32, #tpu.memory_space<vmem>>)
      tpu.yield
    }) : () -> ()
    %dma_start3A = arith.constant 0 : i32
    %dma_start3A_5 = arith.constant 0 : i32
    %dma_start3A_6 = tpu.memref_slice %arg5[%dma_start3A, %dma_start3A_5] : memref<2x128xi32, #tpu.memory_space<vmem>> -> memref<1x128xi32, #tpu.memory_space<vmem>>
    %dma_start3A_7 = tpu.memref_squeeze %dma_start3A_6 : memref<1x128xi32, #tpu.memory_space<vmem>> -> memref<128xi32, #tpu.memory_space<vmem>>
    %dma_start3A_8 = arith.constant 0 : i32
    %dma_start3A_9 = arith.constant 0 : i32
    %dma_start3A_10 = tpu.memref_slice %arg4[%dma_start3A_8, %dma_start3A_9] : memref<8192x768xf32, #tpu.memory_space<hbm>> -> memref<8192x768xf32, #tpu.memory_space<hbm>>
    tpu.enqueue_indirect_dma source(%arg6 : memref<128x768xf32, #tpu.memory_space<vmem>>) target(%dma_start3A_10 : memref<8192x768xf32, #tpu.memory_space<hbm>>) offsets(%dma_start3A_7 : memref<128xi32, #tpu.memory_space<vmem>>) semaphore(%arg7 : memref<!tpu.dma_semaphore, #tpu.memory_space<semaphore_mem>>)
    %dma_wait3A = arith.constant 0 : i32
    %dma_wait3A_11 = arith.constant 0 : i32
    %dma_wait3A_12 = tpu.memref_slice %arg5[%dma_wait3A, %dma_wait3A_11] : memref<2x128xi32, #tpu.memory_space<vmem>> -> memref<1x128xi32, #tpu.memory_space<vmem>>
    %dma_wait3A_13 = tpu.memref_squeeze %dma_wait3A_12 : memref<1x128xi32, #tpu.memory_space<vmem>> -> memref<128xi32, #tpu.memory_space<vmem>>
    %dma_wait3A_14 = arith.constant 0 : i32
    %dma_wait3A_15 = arith.constant 0 : i32
    %dma_wait3A_16 = tpu.memref_slice %arg4[%dma_wait3A_14, %dma_wait3A_15] : memref<8192x768xf32, #tpu.memory_space<hbm>> -> memref<8192x768xf32, #tpu.memory_space<hbm>>
    tpu.wait_indirect_dma semaphore(%arg7 : memref<!tpu.dma_semaphore, #tpu.memory_space<semaphore_mem>>) src(%arg6 : memref<128x768xf32, #tpu.memory_space<vmem>>) dst(%dma_wait3A_16 : memref<8192x768xf32, #tpu.memory_space<hbm>>)
    %mul3A_17 = arith.constant 256 : i32
    %mul3A_18 = arith.muli %add3A, %mul3A_17 : i32
    %add3A_19 = arith.constant 128 : i32
    %add3A_20 = arith.addi %mul3A_18, %add3A_19 : i32
    %run_scoped3A_21 = arith.constant 1 : i32
    "tpu.region"() ({
      %run_scoped3A_36 = tpu.sem_alloc : memref<!tpu.dma_semaphore, #tpu.memory_space<semaphore_mem>>
      %dma_start3A_37 = arith.constant 0 : i32
      %dma_start3A_38 = tpu.memref_slice %arg5[%run_scoped3A_21, %dma_start3A_37] : memref<2x128xi32, #tpu.memory_space<vmem>> -> memref<1x128xi32, #tpu.memory_space<vmem>>
      %dma_start3A_39 = tpu.memref_squeeze %dma_start3A_38 : memref<1x128xi32, #tpu.memory_space<vmem>> -> memref<128xi32, #tpu.memory_space<vmem>>
      %dma_start3A_40 = tpu.memref_slice %arg3[%add3A_20] : memref<8192xi32, #tpu.memory_space<hbm>> -> memref<128xi32, #tpu.memory_space<hbm>>
      %dma_start3A_41 = arith.constant 0 : i32
      %dma_start3A_42 = tpu.memref_slice %arg5[%run_scoped3A_21, %dma_start3A_41] : memref<2x128xi32, #tpu.memory_space<vmem>> -> memref<1x128xi32, #tpu.memory_space<vmem>>
      %dma_start3A_43 = tpu.memref_squeeze %dma_start3A_42 : memref<1x128xi32, #tpu.memory_space<vmem>> -> memref<128xi32, #tpu.memory_space<vmem>>
      %dma_start3A_44 = tpu.memref_slice %arg3[%add3A_20] : memref<8192xi32, #tpu.memory_space<hbm>> -> memref<128xi32, #tpu.memory_space<hbm>>
      tpu.enqueue_dma source(%dma_start3A_44 : memref<128xi32, #tpu.memory_space<hbm>>) target(%dma_start3A_43 : memref<128xi32, #tpu.memory_space<vmem>>) target_semaphore(%run_scoped3A_36 : memref<!tpu.dma_semaphore, #tpu.memory_space<semaphore_mem>>)
      %dma_wait3A_45 = arith.constant 0 : i32
      %dma_wait3A_46 = tpu.memref_slice %arg5[%run_scoped3A_21, %dma_wait3A_45] : memref<2x128xi32, #tpu.memory_space<vmem>> -> memref<1x128xi32, #tpu.memory_space<vmem>>
      %dma_wait3A_47 = tpu.memref_squeeze %dma_wait3A_46 : memref<1x128xi32, #tpu.memory_space<vmem>> -> memref<128xi32, #tpu.memory_space<vmem>>
      %dma_wait3A_48 = tpu.memref_slice %arg3[%add3A_20] : memref<8192xi32, #tpu.memory_space<hbm>> -> memref<128xi32, #tpu.memory_space<hbm>>
      %dma_wait3A_49 = arith.constant 0 : i32
      %dma_wait3A_50 = tpu.memref_slice %arg5[%run_scoped3A_21, %dma_wait3A_49] : memref<2x128xi32, #tpu.memory_space<vmem>> -> memref<1x128xi32, #tpu.memory_space<vmem>>
      %dma_wait3A_51 = tpu.memref_squeeze %dma_wait3A_50 : memref<1x128xi32, #tpu.memory_space<vmem>> -> memref<128xi32, #tpu.memory_space<vmem>>
      %dma_wait3A_52 = tpu.memref_slice %arg3[%add3A_20] : memref<8192xi32, #tpu.memory_space<hbm>> -> memref<128xi32, #tpu.memory_space<hbm>>
      tpu.wait_dma2 semaphore(%run_scoped3A_36 : memref<!tpu.dma_semaphore, #tpu.memory_space<semaphore_mem>>) src(%dma_wait3A_52 : memref<128xi32, #tpu.memory_space<hbm>>) dst(%dma_wait3A_51 : memref<128xi32, #tpu.memory_space<vmem>>)
      tpu.yield
    }) : () -> ()
    "tpu.region"() ({
      %run_scoped3A_36 = tpu.sem_alloc : memref<!tpu.dma_semaphore, #tpu.memory_space<semaphore_mem>>
      %dma_start3A_37 = arith.constant 0 : i32
      %dma_start3A_38 = tpu.memref_slice %arg2[%add3A_20, %dma_start3A_37] : memref<8192x768xf32, #tpu.memory_space<hbm>> -> memref<128x768xf32, #tpu.memory_space<hbm>>
      %dma_start3A_39 = arith.constant 0 : i32
      %dma_start3A_40 = tpu.memref_slice %arg2[%add3A_20, %dma_start3A_39] : memref<8192x768xf32, #tpu.memory_space<hbm>> -> memref<128x768xf32, #tpu.memory_space<hbm>>
      tpu.enqueue_dma source(%dma_start3A_40 : memref<128x768xf32, #tpu.memory_space<hbm>>) target(%arg6 : memref<128x768xf32, #tpu.memory_space<vmem>>) target_semaphore(%run_scoped3A_36 : memref<!tpu.dma_semaphore, #tpu.memory_space<semaphore_mem>>)
      %dma_wait3A_41 = arith.constant 0 : i32
      %dma_wait3A_42 = tpu.memref_slice %arg2[%add3A_20, %dma_wait3A_41] : memref<8192x768xf32, #tpu.memory_space<hbm>> -> memref<128x768xf32, #tpu.memory_space<hbm>>
      %dma_wait3A_43 = arith.constant 0 : i32
      %dma_wait3A_44 = tpu.memref_slice %arg2[%add3A_20, %dma_wait3A_43] : memref<8192x768xf32, #tpu.memory_space<hbm>> -> memref<128x768xf32, #tpu.memory_space<hbm>>
      tpu.wait_dma2 semaphore(%run_scoped3A_36 : memref<!tpu.dma_semaphore, #tpu.memory_space<semaphore_mem>>) src(%dma_wait3A_44 : memref<128x768xf32, #tpu.memory_space<hbm>>) dst(%arg6 : memref<128x768xf32, #tpu.memory_space<vmem>>)
      tpu.yield
    }) : () -> ()
    %dma_start3A_22 = arith.constant 1 : i32
    %dma_start3A_23 = arith.constant 0 : i32
    %dma_start3A_24 = tpu.memref_slice %arg5[%dma_start3A_22, %dma_start3A_23] : memref<2x128xi32, #tpu.memory_space<vmem>> -> memref<1x128xi32, #tpu.memory_space<vmem>>
    %dma_start3A_25 = tpu.memref_squeeze %dma_start3A_24 : memref<1x128xi32, #tpu.memory_space<vmem>> -> memref<128xi32, #tpu.memory_space<vmem>>
    %dma_start3A_26 = arith.constant 0 : i32
    %dma_start3A_27 = arith.constant 0 : i32
    %dma_start3A_28 = tpu.memref_slice %arg4[%dma_start3A_26, %dma_start3A_27] : memref<8192x768xf32, #tpu.memory_space<hbm>> -> memref<8192x768xf32, #tpu.memory_space<hbm>>
    tpu.enqueue_indirect_dma source(%arg6 : memref<128x768xf32, #tpu.memory_space<vmem>>) target(%dma_start3A_28 : memref<8192x768xf32, #tpu.memory_space<hbm>>) offsets(%dma_start3A_25 : memref<128xi32, #tpu.memory_space<vmem>>) semaphore(%arg7 : memref<!tpu.dma_semaphore, #tpu.memory_space<semaphore_mem>>)
    %dma_wait3A_29 = arith.constant 1 : i32
    %dma_wait3A_30 = arith.constant 0 : i32
    %dma_wait3A_31 = tpu.memref_slice %arg5[%dma_wait3A_29, %dma_wait3A_30] : memref<2x128xi32, #tpu.memory_space<vmem>> -> memref<1x128xi32, #tpu.memory_space<vmem>>
    %dma_wait3A_32 = tpu.memref_squeeze %dma_wait3A_31 : memref<1x128xi32, #tpu.memory_space<vmem>> -> memref<128xi32, #tpu.memory_space<vmem>>
    %dma_wait3A_33 = arith.constant 0 : i32
    %dma_wait3A_34 = arith.constant 0 : i32
    %dma_wait3A_35 = tpu.memref_slice %arg4[%dma_wait3A_33, %dma_wait3A_34] : memref<8192x768xf32, #tpu.memory_space<hbm>> -> memref<8192x768xf32, #tpu.memory_space<hbm>>
    tpu.wait_indirect_dma semaphore(%arg7 : memref<!tpu.dma_semaphore, #tpu.memory_space<semaphore_mem>>) src(%arg6 : memref<128x768xf32, #tpu.memory_space<vmem>>) dst(%dma_wait3A_35 : memref<8192x768xf32, #tpu.memory_space<hbm>>)
    return
  }
}

#map = affine_map<(d0, d1) -> (0, 0)>
#map1 = affine_map<(d0, d1) -> (0)>
module attributes {stable_mosaic.version = 14 : i64} {
  func.func @combine(%arg0: i32, %arg1: i32, %arg2: memref<8192x768xf32, #tpu.memory_space<hbm>>, %arg3: memref<8192xi32, #tpu.memory_space<hbm>>, %arg4: memref<8192x768xf32, #tpu.memory_space<hbm>>, %arg5: memref<2x128xi32, #tpu.memory_space<vmem>>, %arg6: memref<128x768xf32, #tpu.memory_space<vmem>>, %arg7: memref<!tpu.dma_semaphore, #tpu.memory_space<semaphore_mem>>) attributes {dimension_semantics = [#tpu.dimension_semantics<core_parallel>, #tpu.dimension_semantics<subcore_parallel>], iteration_bounds = array<i64: 2, 16>, scalar_prefetch = 0 : i64, scratch_operands = 3 : i64, tpu.core_type = #tpu.core_type<sc_vector_subcore>, window_params = [{transform_indices = #map}, {transform_indices = #map1}, {transform_indices = #map}]} {
    %mul3A = arith.constant 2 : i32
    %mul3A_0 = arith.muli %arg1, %mul3A : i32
    %add3A = arith.addi %mul3A_0, %arg0 : i32
    %mul3A_1 = arith.constant 256 : i32
    %mul3A_2 = arith.muli %add3A, %mul3A_1 : i32
    %add3A_3 = arith.constant 0 : i32
    %add3A_4 = arith.addi %mul3A_2, %add3A_3 : i32
    %run_scoped3A = arith.constant 0 : i32
    "tpu.region"() ({
      %run_scoped3A_36 = tpu.sem_alloc : memref<!tpu.dma_semaphore, #tpu.memory_space<semaphore_mem>>
      %dma_start3A_37 = arith.constant 0 : i32
      %dma_start3A_38 = tpu.memref_slice %arg5[%run_scoped3A, %dma_start3A_37] : memref<2x128xi32, #tpu.memory_space<vmem>> -> memref<1x128xi32, #tpu.memory_space<vmem>>
      %dma_start3A_39 = tpu.memref_squeeze %dma_start3A_38 : memref<1x128xi32, #tpu.memory_space<vmem>> -> memref<128xi32, #tpu.memory_space<vmem>>
      %dma_start3A_40 = tpu.memref_slice %arg3[%add3A_4] : memref<8192xi32, #tpu.memory_space<hbm>> -> memref<128xi32, #tpu.memory_space<hbm>>
      %dma_start3A_41 = arith.constant 0 : i32
      %dma_start3A_42 = tpu.memref_slice %arg5[%run_scoped3A, %dma_start3A_41] : memref<2x128xi32, #tpu.memory_space<vmem>> -> memref<1x128xi32, #tpu.memory_space<vmem>>
      %dma_start3A_43 = tpu.memref_squeeze %dma_start3A_42 : memref<1x128xi32, #tpu.memory_space<vmem>> -> memref<128xi32, #tpu.memory_space<vmem>>
      %dma_start3A_44 = tpu.memref_slice %arg3[%add3A_4] : memref<8192xi32, #tpu.memory_space<hbm>> -> memref<128xi32, #tpu.memory_space<hbm>>
      tpu.enqueue_dma source(%dma_start3A_44 : memref<128xi32, #tpu.memory_space<hbm>>) target(%dma_start3A_43 : memref<128xi32, #tpu.memory_space<vmem>>) target_semaphore(%run_scoped3A_36 : memref<!tpu.dma_semaphore, #tpu.memory_space<semaphore_mem>>)
      %dma_wait3A_45 = arith.constant 0 : i32
      %dma_wait3A_46 = tpu.memref_slice %arg5[%run_scoped3A, %dma_wait3A_45] : memref<2x128xi32, #tpu.memory_space<vmem>> -> memref<1x128xi32, #tpu.memory_space<vmem>>
      %dma_wait3A_47 = tpu.memref_squeeze %dma_wait3A_46 : memref<1x128xi32, #tpu.memory_space<vmem>> -> memref<128xi32, #tpu.memory_space<vmem>>
      %dma_wait3A_48 = tpu.memref_slice %arg3[%add3A_4] : memref<8192xi32, #tpu.memory_space<hbm>> -> memref<128xi32, #tpu.memory_space<hbm>>
      %dma_wait3A_49 = arith.constant 0 : i32
      %dma_wait3A_50 = tpu.memref_slice %arg5[%run_scoped3A, %dma_wait3A_49] : memref<2x128xi32, #tpu.memory_space<vmem>> -> memref<1x128xi32, #tpu.memory_space<vmem>>
      %dma_wait3A_51 = tpu.memref_squeeze %dma_wait3A_50 : memref<1x128xi32, #tpu.memory_space<vmem>> -> memref<128xi32, #tpu.memory_space<vmem>>
      %dma_wait3A_52 = tpu.memref_slice %arg3[%add3A_4] : memref<8192xi32, #tpu.memory_space<hbm>> -> memref<128xi32, #tpu.memory_space<hbm>>
      tpu.wait_dma2 semaphore(%run_scoped3A_36 : memref<!tpu.dma_semaphore, #tpu.memory_space<semaphore_mem>>) src(%dma_wait3A_52 : memref<128xi32, #tpu.memory_space<hbm>>) dst(%dma_wait3A_51 : memref<128xi32, #tpu.memory_space<vmem>>)
      tpu.yield
    }) : () -> ()
    %dma_start3A = arith.constant 0 : i32
    %dma_start3A_5 = arith.constant 0 : i32
    %dma_start3A_6 = tpu.memref_slice %arg5[%dma_start3A, %dma_start3A_5] : memref<2x128xi32, #tpu.memory_space<vmem>> -> memref<1x128xi32, #tpu.memory_space<vmem>>
    %dma_start3A_7 = tpu.memref_squeeze %dma_start3A_6 : memref<1x128xi32, #tpu.memory_space<vmem>> -> memref<128xi32, #tpu.memory_space<vmem>>
    %dma_start3A_8 = arith.constant 0 : i32
    %dma_start3A_9 = arith.constant 0 : i32
    %dma_start3A_10 = tpu.memref_slice %arg2[%dma_start3A_8, %dma_start3A_9] : memref<8192x768xf32, #tpu.memory_space<hbm>> -> memref<8192x768xf32, #tpu.memory_space<hbm>>
    tpu.enqueue_indirect_dma source(%dma_start3A_10 : memref<8192x768xf32, #tpu.memory_space<hbm>>) target(%arg6 : memref<128x768xf32, #tpu.memory_space<vmem>>) offsets(%dma_start3A_7 : memref<128xi32, #tpu.memory_space<vmem>>) semaphore(%arg7 : memref<!tpu.dma_semaphore, #tpu.memory_space<semaphore_mem>>)
    %dma_wait3A = arith.constant 0 : i32
    %dma_wait3A_11 = arith.constant 0 : i32
    %dma_wait3A_12 = tpu.memref_slice %arg5[%dma_wait3A, %dma_wait3A_11] : memref<2x128xi32, #tpu.memory_space<vmem>> -> memref<1x128xi32, #tpu.memory_space<vmem>>
    %dma_wait3A_13 = tpu.memref_squeeze %dma_wait3A_12 : memref<1x128xi32, #tpu.memory_space<vmem>> -> memref<128xi32, #tpu.memory_space<vmem>>
    %dma_wait3A_14 = arith.constant 0 : i32
    %dma_wait3A_15 = arith.constant 0 : i32
    %dma_wait3A_16 = tpu.memref_slice %arg2[%dma_wait3A_14, %dma_wait3A_15] : memref<8192x768xf32, #tpu.memory_space<hbm>> -> memref<8192x768xf32, #tpu.memory_space<hbm>>
    tpu.wait_indirect_dma semaphore(%arg7 : memref<!tpu.dma_semaphore, #tpu.memory_space<semaphore_mem>>) src(%dma_wait3A_16 : memref<8192x768xf32, #tpu.memory_space<hbm>>) dst(%arg6 : memref<128x768xf32, #tpu.memory_space<vmem>>)
    "tpu.region"() ({
      %run_scoped3A_36 = tpu.sem_alloc : memref<!tpu.dma_semaphore, #tpu.memory_space<semaphore_mem>>
      %dma_start3A_37 = arith.constant 0 : i32
      %dma_start3A_38 = tpu.memref_slice %arg4[%add3A_4, %dma_start3A_37] : memref<8192x768xf32, #tpu.memory_space<hbm>> -> memref<128x768xf32, #tpu.memory_space<hbm>>
      %dma_start3A_39 = arith.constant 0 : i32
      %dma_start3A_40 = tpu.memref_slice %arg4[%add3A_4, %dma_start3A_39] : memref<8192x768xf32, #tpu.memory_space<hbm>> -> memref<128x768xf32, #tpu.memory_space<hbm>>
      tpu.enqueue_dma source(%arg6 : memref<128x768xf32, #tpu.memory_space<vmem>>) target(%dma_start3A_40 : memref<128x768xf32, #tpu.memory_space<hbm>>) target_semaphore(%run_scoped3A_36 : memref<!tpu.dma_semaphore, #tpu.memory_space<semaphore_mem>>)
      %dma_wait3A_41 = arith.constant 0 : i32
      %dma_wait3A_42 = tpu.memref_slice %arg4[%add3A_4, %dma_wait3A_41] : memref<8192x768xf32, #tpu.memory_space<hbm>> -> memref<128x768xf32, #tpu.memory_space<hbm>>
      %dma_wait3A_43 = arith.constant 0 : i32
      %dma_wait3A_44 = tpu.memref_slice %arg4[%add3A_4, %dma_wait3A_43] : memref<8192x768xf32, #tpu.memory_space<hbm>> -> memref<128x768xf32, #tpu.memory_space<hbm>>
      tpu.wait_dma2 semaphore(%run_scoped3A_36 : memref<!tpu.dma_semaphore, #tpu.memory_space<semaphore_mem>>) src(%arg6 : memref<128x768xf32, #tpu.memory_space<vmem>>) dst(%dma_wait3A_44 : memref<128x768xf32, #tpu.memory_space<hbm>>)
      tpu.yield
    }) : () -> ()
    %mul3A_17 = arith.constant 256 : i32
    %mul3A_18 = arith.muli %add3A, %mul3A_17 : i32
    %add3A_19 = arith.constant 128 : i32
    %add3A_20 = arith.addi %mul3A_18, %add3A_19 : i32
    %run_scoped3A_21 = arith.constant 1 : i32
    "tpu.region"() ({
      %run_scoped3A_36 = tpu.sem_alloc : memref<!tpu.dma_semaphore, #tpu.memory_space<semaphore_mem>>
      %dma_start3A_37 = arith.constant 0 : i32
      %dma_start3A_38 = tpu.memref_slice %arg5[%run_scoped3A_21, %dma_start3A_37] : memref<2x128xi32, #tpu.memory_space<vmem>> -> memref<1x128xi32, #tpu.memory_space<vmem>>
      %dma_start3A_39 = tpu.memref_squeeze %dma_start3A_38 : memref<1x128xi32, #tpu.memory_space<vmem>> -> memref<128xi32, #tpu.memory_space<vmem>>
      %dma_start3A_40 = tpu.memref_slice %arg3[%add3A_20] : memref<8192xi32, #tpu.memory_space<hbm>> -> memref<128xi32, #tpu.memory_space<hbm>>
      %dma_start3A_41 = arith.constant 0 : i32
      %dma_start3A_42 = tpu.memref_slice %arg5[%run_scoped3A_21, %dma_start3A_41] : memref<2x128xi32, #tpu.memory_space<vmem>> -> memref<1x128xi32, #tpu.memory_space<vmem>>
      %dma_start3A_43 = tpu.memref_squeeze %dma_start3A_42 : memref<1x128xi32, #tpu.memory_space<vmem>> -> memref<128xi32, #tpu.memory_space<vmem>>
      %dma_start3A_44 = tpu.memref_slice %arg3[%add3A_20] : memref<8192xi32, #tpu.memory_space<hbm>> -> memref<128xi32, #tpu.memory_space<hbm>>
      tpu.enqueue_dma source(%dma_start3A_44 : memref<128xi32, #tpu.memory_space<hbm>>) target(%dma_start3A_43 : memref<128xi32, #tpu.memory_space<vmem>>) target_semaphore(%run_scoped3A_36 : memref<!tpu.dma_semaphore, #tpu.memory_space<semaphore_mem>>)
      %dma_wait3A_45 = arith.constant 0 : i32
      %dma_wait3A_46 = tpu.memref_slice %arg5[%run_scoped3A_21, %dma_wait3A_45] : memref<2x128xi32, #tpu.memory_space<vmem>> -> memref<1x128xi32, #tpu.memory_space<vmem>>
      %dma_wait3A_47 = tpu.memref_squeeze %dma_wait3A_46 : memref<1x128xi32, #tpu.memory_space<vmem>> -> memref<128xi32, #tpu.memory_space<vmem>>
      %dma_wait3A_48 = tpu.memref_slice %arg3[%add3A_20] : memref<8192xi32, #tpu.memory_space<hbm>> -> memref<128xi32, #tpu.memory_space<hbm>>
      %dma_wait3A_49 = arith.constant 0 : i32
      %dma_wait3A_50 = tpu.memref_slice %arg5[%run_scoped3A_21, %dma_wait3A_49] : memref<2x128xi32, #tpu.memory_space<vmem>> -> memref<1x128xi32, #tpu.memory_space<vmem>>
      %dma_wait3A_51 = tpu.memref_squeeze %dma_wait3A_50 : memref<1x128xi32, #tpu.memory_space<vmem>> -> memref<128xi32, #tpu.memory_space<vmem>>
      %dma_wait3A_52 = tpu.memref_slice %arg3[%add3A_20] : memref<8192xi32, #tpu.memory_space<hbm>> -> memref<128xi32, #tpu.memory_space<hbm>>
      tpu.wait_dma2 semaphore(%run_scoped3A_36 : memref<!tpu.dma_semaphore, #tpu.memory_space<semaphore_mem>>) src(%dma_wait3A_52 : memref<128xi32, #tpu.memory_space<hbm>>) dst(%dma_wait3A_51 : memref<128xi32, #tpu.memory_space<vmem>>)
      tpu.yield
    }) : () -> ()
    %dma_start3A_22 = arith.constant 1 : i32
    %dma_start3A_23 = arith.constant 0 : i32
    %dma_start3A_24 = tpu.memref_slice %arg5[%dma_start3A_22, %dma_start3A_23] : memref<2x128xi32, #tpu.memory_space<vmem>> -> memref<1x128xi32, #tpu.memory_space<vmem>>
    %dma_start3A_25 = tpu.memref_squeeze %dma_start3A_24 : memref<1x128xi32, #tpu.memory_space<vmem>> -> memref<128xi32, #tpu.memory_space<vmem>>
    %dma_start3A_26 = arith.constant 0 : i32
    %dma_start3A_27 = arith.constant 0 : i32
    %dma_start3A_28 = tpu.memref_slice %arg2[%dma_start3A_26, %dma_start3A_27] : memref<8192x768xf32, #tpu.memory_space<hbm>> -> memref<8192x768xf32, #tpu.memory_space<hbm>>
    tpu.enqueue_indirect_dma source(%dma_start3A_28 : memref<8192x768xf32, #tpu.memory_space<hbm>>) target(%arg6 : memref<128x768xf32, #tpu.memory_space<vmem>>) offsets(%dma_start3A_25 : memref<128xi32, #tpu.memory_space<vmem>>) semaphore(%arg7 : memref<!tpu.dma_semaphore, #tpu.memory_space<semaphore_mem>>)
    %dma_wait3A_29 = arith.constant 1 : i32
    %dma_wait3A_30 = arith.constant 0 : i32
    %dma_wait3A_31 = tpu.memref_slice %arg5[%dma_wait3A_29, %dma_wait3A_30] : memref<2x128xi32, #tpu.memory_space<vmem>> -> memref<1x128xi32, #tpu.memory_space<vmem>>
    %dma_wait3A_32 = tpu.memref_squeeze %dma_wait3A_31 : memref<1x128xi32, #tpu.memory_space<vmem>> -> memref<128xi32, #tpu.memory_space<vmem>>
    %dma_wait3A_33 = arith.constant 0 : i32
    %dma_wait3A_34 = arith.constant 0 : i32
    %dma_wait3A_35 = tpu.memref_slice %arg2[%dma_wait3A_33, %dma_wait3A_34] : memref<8192x768xf32, #tpu.memory_space<hbm>> -> memref<8192x768xf32, #tpu.memory_space<hbm>>
    tpu.wait_indirect_dma semaphore(%arg7 : memref<!tpu.dma_semaphore, #tpu.memory_space<semaphore_mem>>) src(%dma_wait3A_35 : memref<8192x768xf32, #tpu.memory_space<hbm>>) dst(%arg6 : memref<128x768xf32, #tpu.memory_space<vmem>>)
    "tpu.region"() ({
      %run_scoped3A_36 = tpu.sem_alloc : memref<!tpu.dma_semaphore, #tpu.memory_space<semaphore_mem>>
      %dma_start3A_37 = arith.constant 0 : i32
      %dma_start3A_38 = tpu.memref_slice %arg4[%add3A_20, %dma_start3A_37] : memref<8192x768xf32, #tpu.memory_space<hbm>> -> memref<128x768xf32, #tpu.memory_space<hbm>>
      %dma_start3A_39 = arith.constant 0 : i32
      %dma_start3A_40 = tpu.memref_slice %arg4[%add3A_20, %dma_start3A_39] : memref<8192x768xf32, #tpu.memory_space<hbm>> -> memref<128x768xf32, #tpu.memory_space<hbm>>
      tpu.enqueue_dma source(%arg6 : memref<128x768xf32, #tpu.memory_space<vmem>>) target(%dma_start3A_40 : memref<128x768xf32, #tpu.memory_space<hbm>>) target_semaphore(%run_scoped3A_36 : memref<!tpu.dma_semaphore, #tpu.memory_space<semaphore_mem>>)
      %dma_wait3A_41 = arith.constant 0 : i32
      %dma_wait3A_42 = tpu.memref_slice %arg4[%add3A_20, %dma_wait3A_41] : memref<8192x768xf32, #tpu.memory_space<hbm>> -> memref<128x768xf32, #tpu.memory_space<hbm>>
      %dma_wait3A_43 = arith.constant 0 : i32
      %dma_wait3A_44 = tpu.memref_slice %arg4[%add3A_20, %dma_wait3A_43] : memref<8192x768xf32, #tpu.memory_space<hbm>> -> memref<128x768xf32, #tpu.memory_space<hbm>>
      tpu.wait_dma2 semaphore(%run_scoped3A_36 : memref<!tpu.dma_semaphore, #tpu.memory_space<semaphore_mem>>) src(%arg6 : memref<128x768xf32, #tpu.memory_space<vmem>>) dst(%dma_wait3A_44 : memref<128x768xf32, #tpu.memory_space<hbm>>)
      tpu.yield
    }) : () -> ()
    return
  }
}

module attributes {stable_mosaic.version = 14 : i64} {
  func.func @_ffn_body(%arg0: i32, %arg1: memref<1x23xi32, #tpu.memory_space<smem>>, %arg2: memref<1x23xi32, #tpu.memory_space<smem>>, %arg3: memref<1x23xi32, #tpu.memory_space<smem>>, %arg4: memref<1x23xi32, #tpu.memory_space<smem>>, %arg5: memref<1x23xi32, #tpu.memory_space<smem>>, %arg6: memref<512x768xf32, #tpu.memory_space<vmem>>, %arg7: memref<1x768x1024xf32, #tpu.memory_space<vmem>>, %arg8: memref<1x1024x768xf32, #tpu.memory_space<vmem>>, %arg9: memref<512x768xf32, #tpu.memory_space<vmem>>) attributes {dimension_semantics = [#tpu.dimension_semantics<arbitrary>], iteration_bounds = array<i64: 23>, scalar_prefetch = 5 : i64, scratch_operands = 0 : i64, tpu.core_type = #tpu.core_type<tc>, window_params = [{transform_indices = @transform_0, window_bounds = array<i64: 512, 768>}, {transform_indices = @transform_1, window_bounds = array<i64: 1, 768, 1024>}, {transform_indices = @transform_2, window_bounds = array<i64: 1, 1024, 768>}, {transform_indices = @transform_3, window_bounds = array<i64: 512, 768>}]} {
    %get3A = arith.constant 0 : index
    %get3A_0 = arith.index_cast %arg0 : i32 to index
    %get3A_1 = memref.load %arg4[%get3A, %get3A_0] : memref<1x23xi32, #tpu.memory_space<smem>>
    %get3A_2 = arith.constant 0 : index
    %get3A_3 = arith.index_cast %arg0 : i32 to index
    %get3A_4 = memref.load %arg5[%get3A_2, %get3A_3] : memref<1x23xi32, #tpu.memory_space<smem>>
    %get3A_5 = arith.constant 0 : index
    %get3A_6 = arith.index_cast %arg0 : i32 to index
    %get3A_7 = memref.load %arg3[%get3A_5, %get3A_6] : memref<1x23xi32, #tpu.memory_space<smem>>
    %iota3A = tpu.iota {dimensions = array<i32: 0>} : vector<512x1xi32>
    %ge3A = vector.broadcast %get3A_1 : i32 to vector<512x1xi32>
    %ge3A_8 = arith.cmpi sge, %iota3A, %ge3A : vector<512x1xi32>
    %lt3A = vector.broadcast %get3A_4 : i32 to vector<512x1xi32>
    %lt3A_9 = arith.cmpi slt, %iota3A, %lt3A : vector<512x1xi32>
    %and3A = arith.andi %ge3A_8, %lt3A_9 : vector<512x1xi1>
    %get3A_10 = arith.constant 0 : index
    %get3A_11 = arith.constant 0 : index
    %get3A_12 = vector.load %arg6[%get3A_10, %get3A_11] : memref<512x768xf32, #tpu.memory_space<vmem>>, vector<512x768xf32>
    %get3A_13 = arith.constant 0 : index
    %get3A_14 = arith.constant 0 : index
    %get3A_15 = arith.constant 0 : index
    %get3A_16 = vector.load %arg7[%get3A_13, %get3A_14, %get3A_15] : memref<1x768x1024xf32, #tpu.memory_space<vmem>>, vector<1x768x1024xf32>
    %get3A_17 = vector.shape_cast %get3A_16 : vector<1x768x1024xf32> to vector<768x1024xf32>
    %dot_general3A = arith.constant dense<0.000000e+00> : vector<512x1024xf32>
    %dot_general3A_18 = tpu.matmul %get3A_12, %get3A_17, %dot_general3A {dimension_numbers = #tpu.dot_dimension_numbers<[1], [0], [0], [1], [0, 0, 1, 1], [], []>, transpose_lhs_hint = false} : vector<512x768xf32>, vector<768x1024xf32>, vector<512x1024xf32> -> vector<512x1024xf32>
    %max3A = arith.constant 0.000000e+00 : f32
    %max3A_19 = vector.broadcast %max3A : f32 to vector<512x1024xf32>
    %max3A_20 = arith.maximumf %dot_general3A_18, %max3A_19 : vector<512x1024xf32>
    %jit3A = arith.constant 0.000000e+00 : f32
    %broadcast_in_dim3A = vector.shape_cast %and3A : vector<512x1xi1> to vector<512x1xi1>
    %broadcast_in_dim3A_21 = vector.broadcast %broadcast_in_dim3A : vector<512x1xi1> to vector<512x1024xi1>
    %broadcast_in_dim3A_22 = vector.broadcast %jit3A : f32 to vector<512x1024xf32>
    %select_n3A = arith.select %broadcast_in_dim3A_21, %max3A_20, %broadcast_in_dim3A_22 : vector<512x1024xi1>, vector<512x1024xf32>
    %get3A_23 = arith.constant 0 : index
    %get3A_24 = arith.constant 0 : index
    %get3A_25 = arith.constant 0 : index
    %get3A_26 = vector.load %arg8[%get3A_23, %get3A_24, %get3A_25] : memref<1x1024x768xf32, #tpu.memory_space<vmem>>, vector<1x1024x768xf32>
    %get3A_27 = vector.shape_cast %get3A_26 : vector<1x1024x768xf32> to vector<1024x768xf32>
    %dot_general3A_28 = arith.constant dense<0.000000e+00> : vector<512x768xf32>
    %dot_general3A_29 = tpu.matmul %select_n3A, %get3A_27, %dot_general3A_28 {dimension_numbers = #tpu.dot_dimension_numbers<[1], [0], [0], [1], [0, 0, 1, 1], [], []>, transpose_lhs_hint = false} : vector<512x1024xf32>, vector<1024x768xf32>, vector<512x768xf32> -> vector<512x768xf32>
    %eq3A = arith.constant 1 : i32
    %eq3A_30 = arith.cmpi eq, %get3A_7, %eq3A : i32
    %convert_element_type3A = arith.extui %eq3A_30 : i1 to i32
    %cond3A = arith.constant 0 : i32
    %cond3A_31 = arith.cmpi ne, %convert_element_type3A, %cond3A : i32
    scf.if %cond3A_31 {
      %swap3A = arith.constant 0 : index
      %swap3A_37 = arith.constant 0 : index
      %swap3A_38 = vector.load %arg9[%swap3A, %swap3A_37] : memref<512x768xf32, #tpu.memory_space<vmem>>, vector<512x768xf32>
      tpu.vector_store %arg9[%swap3A, %swap3A_37], %dot_general3A_29 {strides = array<i32>} : memref<512x768xf32, #tpu.memory_space<vmem>>, vector<512x768xf32>,
    } else {
    }
    %eq3A_32 = arith.constant 0 : i32
    %eq3A_33 = arith.cmpi eq, %get3A_7, %eq3A_32 : i32
    %convert_element_type3A_34 = arith.extui %eq3A_33 : i1 to i32
    %cond3A_35 = arith.constant 0 : i32
    %cond3A_36 = arith.cmpi ne, %convert_element_type3A_34, %cond3A_35 : i32
    scf.if %cond3A_36 {
      %get3A_37 = arith.constant 0 : index
      %get3A_38 = arith.constant 0 : index
      %get3A_39 = vector.load %arg9[%get3A_37, %get3A_38] : memref<512x768xf32, #tpu.memory_space<vmem>>, vector<512x768xf32>
      %add3A = arith.addf %get3A_39, %dot_general3A_29 : vector<512x768xf32>
      %swap3A = arith.constant 0 : index
      %swap3A_40 = arith.constant 0 : index
      %swap3A_41 = vector.load %arg9[%swap3A, %swap3A_40] : memref<512x768xf32, #tpu.memory_space<vmem>>, vector<512x768xf32>
      tpu.vector_store %arg9[%swap3A, %swap3A_40], %add3A {strides = array<i32>} : memref<512x768xf32, #tpu.memory_space<vmem>>, vector<512x768xf32>,
    } else {
    }
    return
  }
  func.func @transform_0(%arg0: i32, %arg1: memref<1x23xi32, #tpu.memory_space<smem>>, %arg2: memref<1x23xi32, #tpu.memory_space<smem>>, %arg3: memref<1x23xi32, #tpu.memory_space<smem>>, %arg4: memref<1x23xi32, #tpu.memory_space<smem>>, %arg5: memref<1x23xi32, #tpu.memory_space<smem>>) -> (i32, i32) {
    %get3A = arith.constant 0 : index
    %get3A_0 = arith.index_cast %arg0 : i32 to index
    %get3A_1 = memref.load %arg1[%get3A, %get3A_0] : memref<1x23xi32, #tpu.memory_space<smem>>
    %c0_i32 = arith.constant 0 : i32
    %c0_i32_2 = arith.constant 0 : i32
    return %get3A_1, %c0_i32 : i32, i32
  }
  func.func @transform_1(%arg0: i32, %arg1: memref<1x23xi32, #tpu.memory_space<smem>>, %arg2: memref<1x23xi32, #tpu.memory_space<smem>>, %arg3: memref<1x23xi32, #tpu.memory_space<smem>>, %arg4: memref<1x23xi32, #tpu.memory_space<smem>>, %arg5: memref<1x23xi32, #tpu.memory_space<smem>>) -> (i32, i32, i32) {
    %get3A = arith.constant 0 : index
    %get3A_0 = arith.index_cast %arg0 : i32 to index
    %get3A_1 = memref.load %arg2[%get3A, %get3A_0] : memref<1x23xi32, #tpu.memory_space<smem>>
    %c0_i32 = arith.constant 0 : i32
    %c0_i32_2 = arith.constant 0 : i32
    %c0_i32_3 = arith.constant 0 : i32
    return %get3A_1, %c0_i32, %c0_i32_2 : i32, i32, i32
  }
  func.func @transform_2(%arg0: i32, %arg1: memref<1x23xi32, #tpu.memory_space<smem>>, %arg2: memref<1x23xi32, #tpu.memory_space<smem>>, %arg3: memref<1x23xi32, #tpu.memory_space<smem>>, %arg4: memref<1x23xi32, #tpu.memory_space<smem>>, %arg5: memref<1x23xi32, #tpu.memory_space<smem>>) -> (i32, i32, i32) {
    %get3A = arith.constant 0 : index
    %get3A_0 = arith.index_cast %arg0 : i32 to index
    %get3A_1 = memref.load %arg2[%get3A, %get3A_0] : memref<1x23xi32, #tpu.memory_space<smem>>
    %c0_i32 = arith.constant 0 : i32
    %c0_i32_2 = arith.constant 0 : i32
    %c0_i32_3 = arith.constant 0 : i32
    return %get3A_1, %c0_i32, %c0_i32_2 : i32, i32, i32
  }
  func.func @transform_3(%arg0: i32, %arg1: memref<1x23xi32, #tpu.memory_space<smem>>, %arg2: memref<1x23xi32, #tpu.memory_space<smem>>, %arg3: memref<1x23xi32, #tpu.memory_space<smem>>, %arg4: memref<1x23xi32, #tpu.memory_space<smem>>, %arg5: memref<1x23xi32, #tpu.memory_space<smem>>) -> (i32, i32) {
    %get3A = arith.constant 0 : index
    %get3A_0 = arith.index_cast %arg0 : i32 to index
    %get3A_1 = memref.load %arg1[%get3A, %get3A_0] : memref<1x23xi32, #tpu.memory_space<smem>>
    %c0_i32 = arith.constant 0 : i32
    %c0_i32_2 = arith.constant 0 : i32
    return %get3A_1, %c0_i32 : i32, i32
  }
}

module attributes {stable_mosaic.version = 14 : i64} {
  func.func @_router_meta_body(%arg0: i32, %arg1: memref<512x768xf32, #tpu.memory_space<vmem>>, %arg2: memref<768x8xf32, #tpu.memory_space<vmem>>, %arg3: memref<512x768xf32, #tpu.memory_space<vmem>>, %arg4: memref<16x1x512xi32, #tpu.memory_space<vmem>>, %arg5: memref<1x23xi32, #tpu.memory_space<vmem>>, %arg6: memref<1x23xi32, #tpu.memory_space<vmem>>, %arg7: memref<1x23xi32, #tpu.memory_space<vmem>>, %arg8: memref<1x23xi32, #tpu.memory_space<vmem>>, %arg9: memref<1x23xi32, #tpu.memory_space<vmem>>, %arg10: memref<16x512xi32, #tpu.memory_space<vmem>>, %arg11: memref<16x512xi32, #tpu.memory_space<vmem>>, %arg12: memref<16x8xf32, #tpu.memory_space<vmem>>) attributes {dimension_semantics = [#tpu.dimension_semantics<arbitrary>], iteration_bounds = array<i64: 17>, scalar_prefetch = 0 : i64, scratch_operands = 3 : i64, tpu.core_type = #tpu.core_type<tc>, window_params = [{transform_indices = @transform_0, window_bounds = array<i64: 512, 768>}, {pipeline_mode = #tpu.pipeline_mode<synchronous>, transform_indices = @transform_1, window_bounds = array<i64: 768, 8>}, {transform_indices = @transform_2, window_bounds = array<i64: 512, 768>}, {pipeline_mode = #tpu.pipeline_mode<synchronous>, transform_indices = @transform_3, window_bounds = array<i64: 16, 1, 512>}, {pipeline_mode = #tpu.pipeline_mode<synchronous>, transform_indices = @transform_4, window_bounds = array<i64: 1, 23>}, {pipeline_mode = #tpu.pipeline_mode<synchronous>, transform_indices = @transform_5, window_bounds = array<i64: 1, 23>}, {pipeline_mode = #tpu.pipeline_mode<synchronous>, transform_indices = @transform_6, window_bounds = array<i64: 1, 23>}, {pipeline_mode = #tpu.pipeline_mode<synchronous>, transform_indices = @transform_7, window_bounds = array<i64: 1, 23>}, {pipeline_mode = #tpu.pipeline_mode<synchronous>, transform_indices = @transform_8, window_bounds = array<i64: 1, 23>}]} {
    %lt3A = arith.constant 16 : i32
    %lt3A_0 = arith.cmpi slt, %arg0, %lt3A : i32
    %convert_element_type3A = arith.extui %lt3A_0 : i1 to i32
    %cond3A = arith.constant 0 : i32
    %cond3A_1 = arith.cmpi ne, %convert_element_type3A, %cond3A : i32
    scf.if %cond3A_1 {
      %get3A = arith.constant 0 : index
      %get3A_6 = arith.constant 0 : index
      %get3A_7 = vector.load %arg1[%get3A, %get3A_6] : memref<512x768xf32, #tpu.memory_space<vmem>>, vector<512x768xf32>
      %get3A_8 = arith.constant 0 : index
      %get3A_9 = arith.constant 0 : index
      %get3A_10 = vector.load %arg2[%get3A_8, %get3A_9] : memref<768x8xf32, #tpu.memory_space<vmem>>, vector<768x8xf32>
      %dot_general3A = arith.constant dense<0.000000e+00> : vector<512x8xf32>
      %dot_general3A_11 = tpu.matmul %get3A_7, %get3A_10, %dot_general3A {dimension_numbers = #tpu.dot_dimension_numbers<[1], [0], [0], [1], [0, 0, 1, 1], [], []>, transpose_lhs_hint = false} : vector<512x768xf32>, vector<768x8xf32>, vector<512x8xf32> -> vector<512x8xf32>
      %iota3A = tpu.iota {dimensions = array<i32: 1>} : vector<512x8xi32>
      %reduce_max3A = arith.constant dense<0xFF800000> : vector<512xf32>
      %reduce_max3A_12 = vector.multi_reduction <maximumf>, %dot_general3A_11, %reduce_max3A [1] : vector<512x8xf32> to vector<512xf32>
      %broadcast_in_dim3A = vector.shape_cast %reduce_max3A_12 : vector<512xf32> to vector<512x1xf32>
      %sub3A = vector.broadcast %broadcast_in_dim3A : vector<512x1xf32> to vector<512x8xf32>
      %sub3A_13 = arith.subf %dot_general3A_11, %sub3A : vector<512x8xf32>
      %exp3A = math.exp %sub3A_13 : vector<512x8xf32>
      %reduce_sum3A = arith.constant dense<0.000000e+00> : vector<512xf32>
      %reduce_sum3A_14 = vector.multi_reduction <add>, %exp3A, %reduce_sum3A [1] : vector<512x8xf32> to vector<512xf32>
      %div3A = arith.constant 1.000000e+00 : f32
      %div3A_15 = vector.broadcast %div3A : f32 to vector<512xf32>
      %div3A_16 = arith.divf %div3A_15, %reduce_sum3A_14 : vector<512xf32>
      %eq3A_17 = vector.broadcast %broadcast_in_dim3A : vector<512x1xf32> to vector<512x8xf32>
      %eq3A_18 = arith.cmpf oeq, %dot_general3A_11, %eq3A_17 : vector<512x8xf32>
      %jit3A = arith.constant 8 : i32
      %broadcast_in_dim3A_19 = vector.broadcast %jit3A : i32 to vector<512x8xi32>
      %select_n3A = arith.select %eq3A_18, %iota3A, %broadcast_in_dim3A_19 : vector<512x8xi1>, vector<512x8xi32>
      %reduce_min3A = arith.constant dense<2147483647> : vector<512xi32>
      %reduce_min3A_20 = vector.multi_reduction <minsi>, %select_n3A, %reduce_min3A [1] : vector<512x8xi32> to vector<512xi32>
      %broadcast_in_dim3A_21 = vector.shape_cast %reduce_min3A_20 : vector<512xi32> to vector<512x1xi32>
      %eq3A_22 = vector.broadcast %broadcast_in_dim3A_21 : vector<512x1xi32> to vector<512x8xi32>
      %eq3A_23 = arith.cmpi eq, %eq3A_22, %iota3A : vector<512x8xi32>
      %convert_element_type3A_24 = arith.extui %eq3A_23 : vector<512x8xi1> to vector<512x8xi32>
      %convert_element_type3A_25 = arith.sitofp %convert_element_type3A_24 : vector<512x8xi32> to vector<512x8xf32>
      %iota3A_26 = tpu.iota {dimensions = array<i32: 0>} : vector<512x512xi32>
      %iota3A_27 = tpu.iota {dimensions = array<i32: 1>} : vector<512x512xi32>
      %gt3A = arith.cmpi sgt, %iota3A_26, %iota3A_27 : vector<512x512xi32>
      %convert_element_type3A_28 = arith.extui %gt3A : vector<512x512xi1> to vector<512x512xi32>
      %convert_element_type3A_29 = arith.sitofp %convert_element_type3A_28 : vector<512x512xi32> to vector<512x512xf32>
      %dot_general3A_30 = arith.constant dense<0.000000e+00> : vector<512x8xf32>
      %dot_general3A_31 = tpu.matmul %convert_element_type3A_29, %convert_element_type3A_25, %dot_general3A_30 {dimension_numbers = #tpu.dot_dimension_numbers<[1], [0], [0], [1], [0, 0, 1, 1], [], []>, transpose_lhs_hint = false} : vector<512x512xf32>, vector<512x8xf32>, vector<512x8xf32> -> vector<512x8xf32>
      %mul3A = arith.mulf %dot_general3A_31, %convert_element_type3A_25 : vector<512x8xf32>
      %reduce_sum3A_32 = arith.constant dense<0.000000e+00> : vector<512xf32>
      %reduce_sum3A_33 = vector.multi_reduction <add>, %mul3A, %reduce_sum3A_32 [1] : vector<512x8xf32> to vector<512xf32>
      %broadcast_in_dim3A_34 = vector.shape_cast %div3A_16 : vector<512xf32> to vector<512x1xf32>
      %mul3A_35 = vector.broadcast %broadcast_in_dim3A_34 : vector<512x1xf32> to vector<512x768xf32>
      %mul3A_36 = arith.mulf %get3A_7, %mul3A_35 : vector<512x768xf32>
      %swap3A = arith.constant 0 : index
      %swap3A_37 = arith.constant 0 : index
      %swap3A_38 = vector.load %arg3[%swap3A, %swap3A_37] : memref<512x768xf32, #tpu.memory_space<vmem>>, vector<512x768xf32>
      tpu.vector_store %arg3[%swap3A, %swap3A_37], %mul3A_36 {strides = array<i32>} : memref<512x768xf32, #tpu.memory_space<vmem>>, vector<512x768xf32>,
      %swap3A_39 = arith.index_cast %arg0 : i32 to index
      %swap3A_40 = arith.constant 0 : index
      %swap3A_41 = vector.load %arg10[%swap3A_39, %swap3A_40] : memref<16x512xi32, #tpu.memory_space<vmem>>, vector<1x512xi32>
      %swap3A_42 = vector.shape_cast %swap3A_41 : vector<1x512xi32> to vector<512xi32>
      %swap3A_43 = vector.shape_cast %reduce_min3A_20 : vector<512xi32> to vector<1x512xi32>
      tpu.vector_store %arg10[%swap3A_39, %swap3A_40], %swap3A_43 {strides = array<i32>} : memref<16x512xi32, #tpu.memory_space<vmem>>, vector<1x512xi32>,
      %convert_element_type3A_44 = arith.fptosi %reduce_sum3A_33 : vector<512xf32> to vector<512xi32>
      %swap3A_45 = arith.index_cast %arg0 : i32 to index
      %swap3A_46 = arith.constant 0 : index
      %swap3A_47 = vector.load %arg11[%swap3A_45, %swap3A_46] : memref<16x512xi32, #tpu.memory_space<vmem>>, vector<1x512xi32>
      %swap3A_48 = vector.shape_cast %swap3A_47 : vector<1x512xi32> to vector<512xi32>
      %swap3A_49 = vector.shape_cast %convert_element_type3A_44 : vector<512xi32> to vector<1x512xi32>
      tpu.vector_store %arg11[%swap3A_45, %swap3A_46], %swap3A_49 {strides = array<i32>} : memref<16x512xi32, #tpu.memory_space<vmem>>, vector<1x512xi32>,
      %reduce_sum3A_50 = arith.constant dense<0.000000e+00> : vector<8xf32>
      %reduce_sum3A_51 = vector.multi_reduction <add>, %convert_element_type3A_25, %reduce_sum3A_50 [0] : vector<512x8xf32> to vector<8xf32>
      %swap3A_52 = arith.index_cast %arg0 : i32 to index
      %swap3A_53 = arith.constant 0 : index
      %swap3A_54 = vector.load %arg12[%swap3A_52, %swap3A_53] : memref<16x8xf32, #tpu.memory_space<vmem>>, vector<1x8xf32>
      %swap3A_55 = vector.shape_cast %swap3A_54 : vector<1x8xf32> to vector<8xf32>
      %swap3A_56 = vector.shape_cast %reduce_sum3A_51 : vector<8xf32> to vector<1x8xf32>
      tpu.vector_store %arg12[%swap3A_52, %swap3A_53], %swap3A_56 {strides = array<i32>} : memref<16x8xf32, #tpu.memory_space<vmem>>, vector<1x8xf32>,
    } else {
    }
    %eq3A = arith.constant 16 : i32
    %eq3A_2 = arith.cmpi eq, %arg0, %eq3A : i32
    %convert_element_type3A_3 = arith.extui %eq3A_2 : i1 to i32
    %cond3A_4 = arith.constant 0 : i32
    %cond3A_5 = arith.cmpi ne, %convert_element_type3A_3, %cond3A_4 : i32
    scf.if %cond3A_5 {
      %get3A = arith.constant 0 : index
      %get3A_6 = arith.constant 0 : index
      %get3A_7 = vector.load %arg12[%get3A, %get3A_6] : memref<16x8xf32, #tpu.memory_space<vmem>>, vector<16x8xf32>
      %iota3A = tpu.iota {dimensions = array<i32: 0>} : vector<16x16xi32>
      %iota3A_8 = tpu.iota {dimensions = array<i32: 1>} : vector<16x16xi32>
      %le3A = arith.cmpi sle, %iota3A_8, %iota3A : vector<16x16xi32>
      %convert_element_type3A_9 = arith.extui %le3A : vector<16x16xi1> to vector<16x16xi32>
      %convert_element_type3A_10 = arith.sitofp %convert_element_type3A_9 : vector<16x16xi32> to vector<16x16xf32>
      %dot_general3A = arith.constant dense<0.000000e+00> : vector<16x8xf32>
      %dot_general3A_11 = tpu.matmul %convert_element_type3A_10, %get3A_7, %dot_general3A {dimension_numbers = #tpu.dot_dimension_numbers<[1], [0], [0], [1], [0, 0, 1, 1], [], []>, precision = #tpu.contract_precision<fp32>, transpose_lhs_hint = false} : vector<16x16xf32>, vector<16x8xf32>, vector<16x8xf32> -> vector<16x8xf32>
      %sub3A = arith.subf %dot_general3A_11, %get3A_7 : vector<16x8xf32>
      %reduce_sum3A = arith.constant dense<0.000000e+00> : vector<8xf32>
      %reduce_sum3A_12 = vector.multi_reduction <add>, %get3A_7, %reduce_sum3A [0] : vector<16x8xf32> to vector<8xf32>
      %broadcast_in_dim3A = vector.shape_cast %reduce_sum3A_12 : vector<8xf32> to vector<1x8xf32>
      %iota3A_13 = tpu.iota {dimensions = array<i32: 0>} : vector<8x8xi32>
      %iota3A_14 = tpu.iota {dimensions = array<i32: 1>} : vector<8x8xi32>
      %le3A_15 = arith.cmpi sle, %iota3A_13, %iota3A_14 : vector<8x8xi32>
      %convert_element_type3A_16 = arith.extui %le3A_15 : vector<8x8xi1> to vector<8x8xi32>
      %convert_element_type3A_17 = arith.sitofp %convert_element_type3A_16 : vector<8x8xi32> to vector<8x8xf32>
      %dot_general3A_18 = arith.constant dense<0.000000e+00> : vector<1x8xf32>
      %dot_general3A_19 = tpu.matmul %broadcast_in_dim3A, %convert_element_type3A_17, %dot_general3A_18 {dimension_numbers = #tpu.dot_dimension_numbers<[1], [0], [0], [1], [0, 0, 1, 1], [], []>, precision = #tpu.contract_precision<fp32>, transpose_lhs_hint = false} : vector<1x8xf32>, vector<8x8xf32>, vector<1x8xf32> -> vector<1x8xf32>
      %sub3A_20 = arith.subf %dot_general3A_19, %broadcast_in_dim3A : vector<1x8xf32>
      %add3A = vector.broadcast %sub3A_20 : vector<1x8xf32> to vector<16x8xf32>
      %add3A_21 = arith.addf %add3A, %sub3A : vector<16x8xf32>
      %get3A_22 = arith.constant 0 : index
      %get3A_23 = arith.constant 0 : index
      %get3A_24 = vector.load %arg10[%get3A_22, %get3A_23] : memref<16x512xi32, #tpu.memory_space<vmem>>, vector<16x512xi32>
      %get3A_25 = arith.constant 0 : index
      %get3A_26 = arith.constant 0 : index
      %get3A_27 = vector.load %arg11[%get3A_25, %get3A_26] : memref<16x512xi32, #tpu.memory_space<vmem>>, vector<16x512xi32>
      %broadcast_in_dim3A_28 = arith.constant 0.000000e+00 : f32
      %broadcast_in_dim3A_29 = vector.broadcast %broadcast_in_dim3A_28 : f32 to vector<16x512xf32>
      %eq3A_30 = arith.constant 0 : i32
      %eq3A_31 = vector.broadcast %eq3A_30 : i32 to vector<16x512xi32>
      %eq3A_32 = arith.cmpi eq, %get3A_24, %eq3A_31 : vector<16x512xi32>
      %slice3A = vector.extract_strided_slice %add3A_21 {offsets = [0, 0], sizes = [16, 1], strides = [1, 1]} : vector<16x8xf32> to vector<16x1xf32>
      %jit3A = arith.constant 0.000000e+00 : f32
      %broadcast_in_dim3A_33 = vector.shape_cast %slice3A : vector<16x1xf32> to vector<16x1xf32>
      %broadcast_in_dim3A_34 = vector.broadcast %broadcast_in_dim3A_33 : vector<16x1xf32> to vector<16x512xf32>
      %broadcast_in_dim3A_35 = vector.broadcast %jit3A : f32 to vector<16x512xf32>
      %select_n3A = arith.select %eq3A_32, %broadcast_in_dim3A_34, %broadcast_in_dim3A_35 : vector<16x512xi1>, vector<16x512xf32>
      %add3A_36 = arith.addf %broadcast_in_dim3A_29, %select_n3A : vector<16x512xf32>
      %eq3A_37 = arith.constant 1 : i32
      %eq3A_38 = vector.broadcast %eq3A_37 : i32 to vector<16x512xi32>
      %eq3A_39 = arith.cmpi eq, %get3A_24, %eq3A_38 : vector<16x512xi32>
      %slice3A_40 = vector.extract_strided_slice %add3A_21 {offsets = [0, 1], sizes = [16, 1], strides = [1, 1]} : vector<16x8xf32> to vector<16x1xf32>
      %jit3A_41 = arith.constant 0.000000e+00 : f32
      %broadcast_in_dim3A_42 = vector.shape_cast %slice3A_40 : vector<16x1xf32> to vector<16x1xf32>
      %broadcast_in_dim3A_43 = vector.broadcast %broadcast_in_dim3A_42 : vector<16x1xf32> to vector<16x512xf32>
      %broadcast_in_dim3A_44 = vector.broadcast %jit3A_41 : f32 to vector<16x512xf32>
      %select_n3A_45 = arith.select %eq3A_39, %broadcast_in_dim3A_43, %broadcast_in_dim3A_44 : vector<16x512xi1>, vector<16x512xf32>
      %add3A_46 = arith.addf %add3A_36, %select_n3A_45 : vector<16x512xf32>
      %eq3A_47 = arith.constant 2 : i32
      %eq3A_48 = vector.broadcast %eq3A_47 : i32 to vector<16x512xi32>
      %eq3A_49 = arith.cmpi eq, %get3A_24, %eq3A_48 : vector<16x512xi32>
      %slice3A_50 = vector.extract_strided_slice %add3A_21 {offsets = [0, 2], sizes = [16, 1], strides = [1, 1]} : vector<16x8xf32> to vector<16x1xf32>
      %jit3A_51 = arith.constant 0.000000e+00 : f32
      %broadcast_in_dim3A_52 = vector.shape_cast %slice3A_50 : vector<16x1xf32> to vector<16x1xf32>
      %broadcast_in_dim3A_53 = vector.broadcast %broadcast_in_dim3A_52 : vector<16x1xf32> to vector<16x512xf32>
      %broadcast_in_dim3A_54 = vector.broadcast %jit3A_51 : f32 to vector<16x512xf32>
      %select_n3A_55 = arith.select %eq3A_49, %broadcast_in_dim3A_53, %broadcast_in_dim3A_54 : vector<16x512xi1>, vector<16x512xf32>
      %add3A_56 = arith.addf %add3A_46, %select_n3A_55 : vector<16x512xf32>
      %eq3A_57 = arith.constant 3 : i32
      %eq3A_58 = vector.broadcast %eq3A_57 : i32 to vector<16x512xi32>
      %eq3A_59 = arith.cmpi eq, %get3A_24, %eq3A_58 : vector<16x512xi32>
      %slice3A_60 = vector.extract_strided_slice %add3A_21 {offsets = [0, 3], sizes = [16, 1], strides = [1, 1]} : vector<16x8xf32> to vector<16x1xf32>
      %jit3A_61 = arith.constant 0.000000e+00 : f32
      %broadcast_in_dim3A_62 = vector.shape_cast %slice3A_60 : vector<16x1xf32> to vector<16x1xf32>
      %broadcast_in_dim3A_63 = vector.broadcast %broadcast_in_dim3A_62 : vector<16x1xf32> to vector<16x512xf32>
      %broadcast_in_dim3A_64 = vector.broadcast %jit3A_61 : f32 to vector<16x512xf32>
      %select_n3A_65 = arith.select %eq3A_59, %broadcast_in_dim3A_63, %broadcast_in_dim3A_64 : vector<16x512xi1>, vector<16x512xf32>
      %add3A_66 = arith.addf %add3A_56, %select_n3A_65 : vector<16x512xf32>
      %eq3A_67 = arith.constant 4 : i32
      %eq3A_68 = vector.broadcast %eq3A_67 : i32 to vector<16x512xi32>
      %eq3A_69 = arith.cmpi eq, %get3A_24, %eq3A_68 : vector<16x512xi32>
      %slice3A_70 = vector.extract_strided_slice %add3A_21 {offsets = [0, 4], sizes = [16, 1], strides = [1, 1]} : vector<16x8xf32> to vector<16x1xf32>
      %jit3A_71 = arith.constant 0.000000e+00 : f32
      %broadcast_in_dim3A_72 = vector.shape_cast %slice3A_70 : vector<16x1xf32> to vector<16x1xf32>
      %broadcast_in_dim3A_73 = vector.broadcast %broadcast_in_dim3A_72 : vector<16x1xf32> to vector<16x512xf32>
      %broadcast_in_dim3A_74 = vector.broadcast %jit3A_71 : f32 to vector<16x512xf32>
      %select_n3A_75 = arith.select %eq3A_69, %broadcast_in_dim3A_73, %broadcast_in_dim3A_74 : vector<16x512xi1>, vector<16x512xf32>
      %add3A_76 = arith.addf %add3A_66, %select_n3A_75 : vector<16x512xf32>
      %eq3A_77 = arith.constant 5 : i32
      %eq3A_78 = vector.broadcast %eq3A_77 : i32 to vector<16x512xi32>
      %eq3A_79 = arith.cmpi eq, %get3A_24, %eq3A_78 : vector<16x512xi32>
      %slice3A_80 = vector.extract_strided_slice %add3A_21 {offsets = [0, 5], sizes = [16, 1], strides = [1, 1]} : vector<16x8xf32> to vector<16x1xf32>
      %jit3A_81 = arith.constant 0.000000e+00 : f32
      %broadcast_in_dim3A_82 = vector.shape_cast %slice3A_80 : vector<16x1xf32> to vector<16x1xf32>
      %broadcast_in_dim3A_83 = vector.broadcast %broadcast_in_dim3A_82 : vector<16x1xf32> to vector<16x512xf32>
      %broadcast_in_dim3A_84 = vector.broadcast %jit3A_81 : f32 to vector<16x512xf32>
      %select_n3A_85 = arith.select %eq3A_79, %broadcast_in_dim3A_83, %broadcast_in_dim3A_84 : vector<16x512xi1>, vector<16x512xf32>
      %add3A_86 = arith.addf %add3A_76, %select_n3A_85 : vector<16x512xf32>
      %eq3A_87 = arith.constant 6 : i32
      %eq3A_88 = vector.broadcast %eq3A_87 : i32 to vector<16x512xi32>
      %eq3A_89 = arith.cmpi eq, %get3A_24, %eq3A_88 : vector<16x512xi32>
      %slice3A_90 = vector.extract_strided_slice %add3A_21 {offsets = [0, 6], sizes = [16, 1], strides = [1, 1]} : vector<16x8xf32> to vector<16x1xf32>
      %jit3A_91 = arith.constant 0.000000e+00 : f32
      %broadcast_in_dim3A_92 = vector.shape_cast %slice3A_90 : vector<16x1xf32> to vector<16x1xf32>
      %broadcast_in_dim3A_93 = vector.broadcast %broadcast_in_dim3A_92 : vector<16x1xf32> to vector<16x512xf32>
      %broadcast_in_dim3A_94 = vector.broadcast %jit3A_91 : f32 to vector<16x512xf32>
      %select_n3A_95 = arith.select %eq3A_89, %broadcast_in_dim3A_93, %broadcast_in_dim3A_94 : vector<16x512xi1>, vector<16x512xf32>
      %add3A_96 = arith.addf %add3A_86, %select_n3A_95 : vector<16x512xf32>
      %eq3A_97 = arith.constant 7 : i32
      %eq3A_98 = vector.broadcast %eq3A_97 : i32 to vector<16x512xi32>
      %eq3A_99 = arith.cmpi eq, %get3A_24, %eq3A_98 : vector<16x512xi32>
      %slice3A_100 = vector.extract_strided_slice %add3A_21 {offsets = [0, 7], sizes = [16, 1], strides = [1, 1]} : vector<16x8xf32> to vector<16x1xf32>
      %jit3A_101 = arith.constant 0.000000e+00 : f32
      %broadcast_in_dim3A_102 = vector.shape_cast %slice3A_100 : vector<16x1xf32> to vector<16x1xf32>
      %broadcast_in_dim3A_103 = vector.broadcast %broadcast_in_dim3A_102 : vector<16x1xf32> to vector<16x512xf32>
      %broadcast_in_dim3A_104 = vector.broadcast %jit3A_101 : f32 to vector<16x512xf32>
      %select_n3A_105 = arith.select %eq3A_99, %broadcast_in_dim3A_103, %broadcast_in_dim3A_104 : vector<16x512xi1>, vector<16x512xf32>
      %add3A_106 = arith.addf %add3A_96, %select_n3A_105 : vector<16x512xf32>
      %convert_element_type3A_107 = arith.fptosi %add3A_106 : vector<16x512xf32> to vector<16x512xi32>
      %add3A_108 = arith.addi %convert_element_type3A_107, %get3A_27 : vector<16x512xi32>
      %reshape3A = vector.shape_cast %add3A_108 : vector<16x512xi32> to vector<16x1x512xi32>
      %swap3A = arith.constant 0 : index
      %swap3A_109 = arith.constant 0 : index
      %swap3A_110 = arith.constant 0 : index
      %swap3A_111 = vector.load %arg4[%swap3A, %swap3A_109, %swap3A_110] : memref<16x1x512xi32, #tpu.memory_space<vmem>>, vector<16x1x512xi32>
      tpu.vector_store %arg4[%swap3A, %swap3A_109, %swap3A_110], %reshape3A {strides = array<i32>} : memref<16x1x512xi32, #tpu.memory_space<vmem>>, vector<16x1x512xi32>,
      %iota3A_112 = tpu.iota {dimensions = array<i32: 1>} : vector<16x8xi32>
      %ge3A = arith.constant 1 : i32
      %ge3A_113 = vector.broadcast %ge3A : i32 to vector<16x8xi32>
      %ge3A_114 = arith.cmpi sge, %iota3A_112, %ge3A_113 : vector<16x8xi32>
      %iota3A_115 = tpu.iota {dimensions = array<i32: 0>} : vector<16x8xi32>
      %mul3A = arith.constant 512 : i32
      %mul3A_116 = vector.broadcast %mul3A : i32 to vector<16x8xi32>
      %mul3A_117 = arith.muli %iota3A_115, %mul3A_116 : vector<16x8xi32>
      %convert_element_type3A_118 = arith.sitofp %mul3A_117 : vector<16x8xi32> to vector<16x8xf32>
      %le3A_119 = vector.broadcast %sub3A_20 : vector<1x8xf32> to vector<16x8xf32>
      %le3A_120 = arith.cmpf ole, %le3A_119, %convert_element_type3A_118 : vector<16x8xf32>
      %and3A = arith.andi %le3A_120, %ge3A_114 : vector<16x8xi1>
      %convert_element_type3A_121 = arith.extui %and3A : vector<16x8xi1> to vector<16x8xi32>
      %reduce_sum3A_122 = arith.constant dense<0> : vector<16xi32>
      %reduce_sum3A_123 = vector.multi_reduction <add>, %convert_element_type3A_121, %reduce_sum3A_122 [1] : vector<16x8xi32> to vector<16xi32>
      %add3A_124 = arith.constant 5.110000e+02 : f32
      %add3A_125 = vector.broadcast %add3A_124 : f32 to vector<16x8xf32>
      %add3A_126 = arith.addf %convert_element_type3A_118, %add3A_125 : vector<16x8xf32>
      %le3A_127 = vector.broadcast %sub3A_20 : vector<1x8xf32> to vector<16x8xf32>
      %le3A_128 = arith.cmpf ole, %le3A_127, %add3A_126 : vector<16x8xf32>
      %and3A_129 = arith.andi %le3A_128, %ge3A_114 : vector<16x8xi1>
      %convert_element_type3A_130 = arith.extui %and3A_129 : vector<16x8xi1> to vector<16x8xi32>
      %reduce_sum3A_131 = arith.constant dense<0> : vector<16xi32>
      %reduce_sum3A_132 = vector.multi_reduction <add>, %convert_element_type3A_130, %reduce_sum3A_131 [1] : vector<16x8xi32> to vector<16xi32>
      %sub3A_133 = arith.subi %reduce_sum3A_132, %reduce_sum3A_123 : vector<16xi32>
      %add3A_134 = arith.constant 1 : i32
      %add3A_135 = vector.broadcast %add3A_134 : i32 to vector<16xi32>
      %add3A_136 = arith.addi %sub3A_133, %add3A_135 : vector<16xi32>
      %reshape3A_137 = vector.shape_cast %add3A_136 : vector<16xi32> to vector<1x16xi32>
      %convert_element_type3A_138 = arith.sitofp %reshape3A_137 : vector<1x16xi32> to vector<1x16xf32>
      %iota3A_139 = tpu.iota {dimensions = array<i32: 0>} : vector<16x16xi32>
      %iota3A_140 = tpu.iota {dimensions = array<i32: 1>} : vector<16x16xi32>
      %le3A_141 = arith.cmpi sle, %iota3A_139, %iota3A_140 : vector<16x16xi32>
      %convert_element_type3A_142 = arith.extui %le3A_141 : vector<16x16xi1> to vector<16x16xi32>
      %convert_element_type3A_143 = arith.sitofp %convert_element_type3A_142 : vector<16x16xi32> to vector<16x16xf32>
      %dot_general3A_144 = arith.constant dense<0.000000e+00> : vector<1x16xf32>
      %dot_general3A_145 = tpu.matmul %convert_element_type3A_138, %convert_element_type3A_143, %dot_general3A_144 {dimension_numbers = #tpu.dot_dimension_numbers<[1], [0], [0], [1], [0, 0, 1, 1], [], []>, precision = #tpu.contract_precision<fp32>, transpose_lhs_hint = false} : vector<1x16xf32>, vector<16x16xf32>, vector<1x16xf32> -> vector<1x16xf32>
      %sub3A_146 = arith.subf %dot_general3A_145, %convert_element_type3A_138 : vector<1x16xf32>
      %convert_element_type3A_147 = arith.fptosi %sub3A_146 : vector<1x16xf32> to vector<1x16xi32>
      %convert_element_type3A_148 = arith.fptosi %convert_element_type3A_138 : vector<1x16xf32> to vector<1x16xi32>
      %reduce_sum3A_149 = vector.shape_cast %convert_element_type3A_148 : vector<1x16xi32> to vector<1x1x16xi32>
      %reduce_sum3A_150 = arith.constant dense<0> : vector<1xi32>
      %reduce_sum3A_151 = vector.multi_reduction <add>, %reduce_sum3A_149, %reduce_sum3A_150 [1, 2] : vector<1x1x16xi32> to vector<1xi32>
      %reduce_sum3A_152 = vector.shape_cast %reduce_sum3A_151 : vector<1xi32> to vector<1x1x1xi32>
      %reduce_sum3A_153 = vector.extract %reduce_sum3A_152[0, 0, 0] : i32 from vector<1x1x1xi32>
      %iota3A_154 = tpu.iota {dimensions = array<i32: 0>} : vector<23x16xi32>
      %le3A_155 = vector.broadcast %convert_element_type3A_147 : vector<1x16xi32> to vector<23x16xi32>
      %le3A_156 = arith.cmpi sle, %le3A_155, %iota3A_154 : vector<23x16xi32>
      %convert_element_type3A_157 = arith.extui %le3A_156 : vector<23x16xi1> to vector<23x16xi32>
      %reduce_sum3A_158 = arith.constant dense<0> : vector<23xi32>
      %reduce_sum3A_159 = vector.multi_reduction <add>, %convert_element_type3A_157, %reduce_sum3A_158 [1] : vector<23x16xi32> to vector<23xi32>
      %sub3A_160 = arith.constant 1 : i32
      %sub3A_161 = vector.broadcast %sub3A_160 : i32 to vector<23xi32>
      %sub3A_162 = arith.subi %reduce_sum3A_159, %sub3A_161 : vector<23xi32>
      %broadcast_in_dim3A_163 = vector.shape_cast %sub3A_162 : vector<23xi32> to vector<23x1xi32>
      %iota3A_164 = tpu.iota {dimensions = array<i32: 1>} : vector<23x16xi32>
      %eq3A_165 = vector.broadcast %broadcast_in_dim3A_163 : vector<23x1xi32> to vector<23x16xi32>
      %eq3A_166 = arith.cmpi eq, %eq3A_165, %iota3A_164 : vector<23x16xi32>
      %convert_element_type3A_167 = arith.extui %eq3A_166 : vector<23x16xi1> to vector<23x16xi32>
      %broadcast_in_dim3A_168 = vector.shape_cast %reduce_sum3A_123 : vector<16xi32> to vector<1x16xi32>
      %mul3A_169 = vector.broadcast %broadcast_in_dim3A_168 : vector<1x16xi32> to vector<23x16xi32>
      %mul3A_170 = arith.muli %convert_element_type3A_167, %mul3A_169 : vector<23x16xi32>
      %reduce_sum3A_171 = arith.constant dense<0> : vector<23xi32>
      %reduce_sum3A_172 = vector.multi_reduction <add>, %mul3A_170, %reduce_sum3A_171 [1] : vector<23x16xi32> to vector<23xi32>
      %mul3A_173 = vector.broadcast %convert_element_type3A_147 : vector<1x16xi32> to vector<23x16xi32>
      %mul3A_174 = arith.muli %convert_element_type3A_167, %mul3A_173 : vector<23x16xi32>
      %reduce_sum3A_175 = arith.constant dense<0> : vector<23xi32>
      %reduce_sum3A_176 = vector.multi_reduction <add>, %mul3A_174, %reduce_sum3A_175 [1] : vector<23x16xi32> to vector<23xi32>
      %reduce_max3A = arith.constant dense<-2147483648> : vector<23xi32>
      %reduce_max3A_177 = vector.multi_reduction <maxsi>, %iota3A_154, %reduce_max3A [1] : vector<23x16xi32> to vector<23xi32>
      %sub3A_178 = arith.subi %reduce_max3A_177, %reduce_sum3A_176 : vector<23xi32>
      %add3A_179 = arith.addi %reduce_sum3A_172, %sub3A_178 : vector<23xi32>
      %jit3A_180 = arith.constant 0 : i32
      %jit3A_181 = arith.constant 7 : i32
      %max3A = vector.broadcast %jit3A_180 : i32 to vector<23xi32>
      %max3A_182 = arith.maxsi %max3A, %add3A_179 : vector<23xi32>
      %min3A = vector.broadcast %jit3A_181 : i32 to vector<23xi32>
      %min3A_183 = arith.minsi %min3A, %max3A_182 : vector<23xi32>
      %lt3A_184 = vector.broadcast %reduce_sum3A_153 : i32 to vector<23xi32>
      %lt3A_185 = arith.cmpi slt, %reduce_max3A_177, %lt3A_184 : vector<23xi32>
      %eq3A_186 = arith.cmpi eq, %reduce_max3A_177, %reduce_sum3A_176 : vector<23xi32>
      %and3A_187 = arith.andi %eq3A_186, %lt3A_185 : vector<23xi1>
      %convert_element_type3A_188 = arith.extui %and3A_187 : vector<23xi1> to vector<23xi32>
      %broadcast_in_dim3A_189 = vector.shape_cast %min3A_183 : vector<23xi32> to vector<23x1xi32>
      %iota3A_190 = tpu.iota {dimensions = array<i32: 1>} : vector<23x8xi32>
      %eq3A_191 = vector.broadcast %broadcast_in_dim3A_189 : vector<23x1xi32> to vector<23x8xi32>
      %eq3A_192 = arith.cmpi eq, %eq3A_191, %iota3A_190 : vector<23x8xi32>
      %convert_element_type3A_193 = arith.extui %eq3A_192 : vector<23x8xi1> to vector<23x8xi32>
      %convert_element_type3A_194 = arith.sitofp %convert_element_type3A_193 : vector<23x8xi32> to vector<23x8xf32>
      %mul3A_195 = vector.broadcast %sub3A_20 : vector<1x8xf32> to vector<23x8xf32>
      %mul3A_196 = arith.mulf %convert_element_type3A_194, %mul3A_195 : vector<23x8xf32>
      %reduce_sum3A_197 = arith.constant dense<0.000000e+00> : vector<23xf32>
      %reduce_sum3A_198 = vector.multi_reduction <add>, %mul3A_196, %reduce_sum3A_197 [1] : vector<23x8xf32> to vector<23xf32>
      %mul3A_199 = vector.broadcast %dot_general3A_19 : vector<1x8xf32> to vector<23x8xf32>
      %mul3A_200 = arith.mulf %convert_element_type3A_194, %mul3A_199 : vector<23x8xf32>
      %reduce_sum3A_201 = arith.constant dense<0.000000e+00> : vector<23xf32>
      %reduce_sum3A_202 = vector.multi_reduction <add>, %mul3A_200, %reduce_sum3A_201 [1] : vector<23x8xf32> to vector<23xf32>
      %mul3A_203 = arith.constant 512 : i32
      %mul3A_204 = vector.broadcast %mul3A_203 : i32 to vector<23xi32>
      %mul3A_205 = arith.muli %sub3A_162, %mul3A_204 : vector<23xi32>
      %convert_element_type3A_206 = arith.sitofp %mul3A_205 : vector<23xi32> to vector<23xf32>
      %max3A_207 = arith.maximumf %reduce_sum3A_198, %convert_element_type3A_206 : vector<23xf32>
      %sub3A_208 = arith.subf %max3A_207, %convert_element_type3A_206 : vector<23xf32>
      %add3A_209 = arith.constant 5.120000e+02 : f32
      %add3A_210 = vector.broadcast %add3A_209 : f32 to vector<23xf32>
      %add3A_211 = arith.addf %convert_element_type3A_206, %add3A_210 : vector<23xf32>
      %min3A_212 = arith.minimumf %reduce_sum3A_202, %add3A_211 : vector<23xf32>
      %sub3A_213 = arith.subf %min3A_212, %convert_element_type3A_206 : vector<23xf32>
      %jit3A_214 = arith.constant 0.000000e+00 : f32
      %broadcast_in_dim3A_215 = vector.broadcast %jit3A_214 : f32 to vector<23xf32>
      %select_n3A_216 = arith.select %lt3A_185, %sub3A_208, %broadcast_in_dim3A_215 : vector<23xi1>, vector<23xf32>
      %convert_element_type3A_217 = arith.fptosi %select_n3A_216 : vector<23xf32> to vector<23xi32>
      %jit3A_218 = arith.constant 0.000000e+00 : f32
      %broadcast_in_dim3A_219 = vector.broadcast %jit3A_218 : f32 to vector<23xf32>
      %select_n3A_220 = arith.select %lt3A_185, %sub3A_213, %broadcast_in_dim3A_219 : vector<23xi1>, vector<23xf32>
      %convert_element_type3A_221 = arith.fptosi %select_n3A_220 : vector<23xf32> to vector<23xi32>
      %reshape3A_222 = vector.shape_cast %sub3A_162 : vector<23xi32> to vector<1x23xi32>
      %swap3A_223 = arith.constant 0 : index
      %swap3A_224 = arith.constant 0 : index
      %swap3A_225 = vector.load %arg5[%swap3A_223, %swap3A_224] : memref<1x23xi32, #tpu.memory_space<vmem>>, vector<1x23xi32>
      tpu.vector_store %arg5[%swap3A_223, %swap3A_224], %reshape3A_222 {strides = array<i32>} : memref<1x23xi32, #tpu.memory_space<vmem>>, vector<1x23xi32>,
      %reshape3A_226 = vector.shape_cast %min3A_183 : vector<23xi32> to vector<1x23xi32>
      %swap3A_227 = arith.constant 0 : index
      %swap3A_228 = arith.constant 0 : index
      %swap3A_229 = vector.load %arg6[%swap3A_227, %swap3A_228] : memref<1x23xi32, #tpu.memory_space<vmem>>, vector<1x23xi32>
      tpu.vector_store %arg6[%swap3A_227, %swap3A_228], %reshape3A_226 {strides = array<i32>} : memref<1x23xi32, #tpu.memory_space<vmem>>, vector<1x23xi32>,
      %reshape3A_230 = vector.shape_cast %convert_element_type3A_188 : vector<23xi32> to vector<1x23xi32>
      %swap3A_231 = arith.constant 0 : index
      %swap3A_232 = arith.constant 0 : index
      %swap3A_233 = vector.load %arg7[%swap3A_231, %swap3A_232] : memref<1x23xi32, #tpu.memory_space<vmem>>, vector<1x23xi32>
      tpu.vector_store %arg7[%swap3A_231, %swap3A_232], %reshape3A_230 {strides = array<i32>} : memref<1x23xi32, #tpu.memory_space<vmem>>, vector<1x23xi32>,
      %reshape3A_234 = vector.shape_cast %convert_element_type3A_217 : vector<23xi32> to vector<1x23xi32>
      %swap3A_235 = arith.constant 0 : index
      %swap3A_236 = arith.constant 0 : index
      %swap3A_237 = vector.load %arg8[%swap3A_235, %swap3A_236] : memref<1x23xi32, #tpu.memory_space<vmem>>, vector<1x23xi32>
      tpu.vector_store %arg8[%swap3A_235, %swap3A_236], %reshape3A_234 {strides = array<i32>} : memref<1x23xi32, #tpu.memory_space<vmem>>, vector<1x23xi32>,
      %reshape3A_238 = vector.shape_cast %convert_element_type3A_221 : vector<23xi32> to vector<1x23xi32>
      %swap3A_239 = arith.constant 0 : index
      %swap3A_240 = arith.constant 0 : index
      %swap3A_241 = vector.load %arg9[%swap3A_239, %swap3A_240] : memref<1x23xi32, #tpu.memory_space<vmem>>, vector<1x23xi32>
      tpu.vector_store %arg9[%swap3A_239, %swap3A_240], %reshape3A_238 {strides = array<i32>} : memref<1x23xi32, #tpu.memory_space<vmem>>, vector<1x23xi32>,
    } else {
    }
    return
  }
  func.func @transform_0(%arg0: i32) -> (i32, i32) {
    %min3A = arith.constant 15 : i32
    %min3A_0 = arith.minsi %arg0, %min3A : i32
    %c0_i32 = arith.constant 0 : i32
    %c0_i32_1 = arith.constant 0 : i32
    return %min3A_0, %c0_i32 : i32, i32
  }
  func.func @transform_1(%arg0: i32) -> (i32, i32) {
    %c0_i32 = arith.constant 0 : i32
    %c0_i32_0 = arith.constant 0 : i32
    %c0_i32_1 = arith.constant 0 : i32
    return %c0_i32, %c0_i32_0 : i32, i32
  }
  func.func @transform_2(%arg0: i32) -> (i32, i32) {
    %min3A = arith.constant 15 : i32
    %min3A_0 = arith.minsi %arg0, %min3A : i32
    %c0_i32 = arith.constant 0 : i32
    %c0_i32_1 = arith.constant 0 : i32
    return %min3A_0, %c0_i32 : i32, i32
  }
  func.func @transform_3(%arg0: i32) -> (i32, i32, i32) {
    %c0_i32 = arith.constant 0 : i32
    %c0_i32_0 = arith.constant 0 : i32
    %c0_i32_1 = arith.constant 0 : i32
    %c0_i32_2 = arith.constant 0 : i32
    return %c0_i32, %c0_i32_0, %c0_i32_1 : i32, i32, i32
  }
  func.func @transform_4(%arg0: i32) -> (i32, i32) {
    %c0_i32 = arith.constant 0 : i32
    %c0_i32_0 = arith.constant 0 : i32
    %c0_i32_1 = arith.constant 0 : i32
    return %c0_i32, %c0_i32_0 : i32, i32
  }
  func.func @transform_5(%arg0: i32) -> (i32, i32) {
    %c0_i32 = arith.constant 0 : i32
    %c0_i32_0 = arith.constant 0 : i32
    %c0_i32_1 = arith.constant 0 : i32
    return %c0_i32, %c0_i32_0 : i32, i32
  }
  func.func @transform_6(%arg0: i32) -> (i32, i32) {
    %c0_i32 = arith.constant 0 : i32
    %c0_i32_0 = arith.constant 0 : i32
    %c0_i32_1 = arith.constant 0 : i32
    return %c0_i32, %c0_i32_0 : i32, i32
  }
  func.func @transform_7(%arg0: i32) -> (i32, i32) {
    %c0_i32 = arith.constant 0 : i32
    %c0_i32_0 = arith.constant 0 : i32
    %c0_i32_1 = arith.constant 0 : i32
    return %c0_i32, %c0_i32_0 : i32, i32
  }
  func.func @transform_8(%arg0: i32) -> (i32, i32) {
    %c0_i32 = arith.constant 0 : i32
    %c0_i32_0 = arith.constant 0 : i32
    %c0_i32_1 = arith.constant 0 : i32
    return %c0_i32, %c0_i32_0 : i32, i32
  }
}

</mosaic_0001>

<sc_bundles>
// kernel: kernel.6.cloned.1.call-start
scs
__scs_entry_jumppad:
0x0: {  	(pc) =	sbr.rel $0x88, $3  }
0x1: {  	(tag) =	ssettag $0x0;
	lr =	simm.s32 $0x1  }
0x2: {  	[smem:$0x3F9D] =	sst lr;
	_ =	strace $0xD0000000  }
0x3: {  	_ = 	snop  }
0x4: {  	_ = 	snop  }
0x5: {  	_ = 	snop  }
0x6: {  	_ = 	snop  }
0x7: {  	_ = 	snop  }
__scs_overlays_trampoline_lowered:
0x8: {  	[smem:$0x3FAC] =	sst s0  }
0x9: {  	[smem:$0x3FAD] =	sst s1  }
0xa: {  	[smem:$0x3FAE] =	sst s2  }
0xb: {  	[smem:$0x3FAF] =	sst s3  }
0xc: {  	[smem:$0x3FB0] =	sst s4  }
0xd: {  	[smem:$0x3FB1] =	sst s5  }
0xe: {  	[smem:$0x3FB2] =	sst s6  }
0xf: {  	[smem:$0x3FB3] =	sst s7  }
0x10: {  	[smem:$0x3FB4] =	sst s8  }
0x11: {  	[smem:$0x3FB5] =	sst s9;
	s0 =	simm.s32 @!p0 $0x0  }
0x12: {  	s1 =	sld [smem:$0x3F9B];
	s0 =	simm.s32 @p0 $0x1  }
0x13: {  	[smem:$0x3FB6] =	sst s0;
	s0 =	simm.s32 @!p1 $0x0  }
0x14: {  	s2 =	sld [smem:$0x3F9A];
	s0 =	simm.s32 @p1 $0x1  }
0x15: {  	[smem:$0x3FB7] =	sst s0;
	s0 =	simm.s32 @!p2 $0x0  }
0x16: {  	s3 =	sld [smem:$0x3FDB];
	s0 =	simm.s32 @p2 $0x1  }
0x17: {  	s4 =	simm.s32 $0x1BF5;
	[smem:$0x3FB9] =	sst s0  }
0x18: {  	s0 =	sld [smem:$0x3F9C];
	_ =	swait.ge [sflag:s4], $0x0  }
0x19: {  	s7 =	sld [smem:$0x3F9D]  }
0x1a: {  	s8 =	sadd.s32 $0xFFFFE003, lr  }
0x1b: {  	s9 =	sadd.s32 $0xFFFFFEF7, lr;
	s5 =	simm.s32 $0xFFFFFFFF;
	p2 =	slt.u32 s8, $0xFFFFF086  }
0x1c: {  	p1 =	slt.u32 s9, $0xF7A;
	s5 =	simm.s32 @!p2 $0x0  }
0x1d: {  	s5 =	simm.s32 @p1 $0x1;
	p0 =	seq.s32 s7, s2  }
0x1e: {  	s7 =	smul.u32 @!p0 $0xF7A, s2;
	p2 =	seq.s32 @!p0 s5, $0x0  }
0x1f: {  	s9 =	smul.u32 $0xF7A, s1;
	s8 =	simm.s32 @!p0 $0x1BF5;
	p2 =	por !p2, p0  }
0x20: {  	[sflag:s8] =	ssyncset.s32 @!p0 $0xFFFFF086;
	s6 =	sadd.s32 @!p0 s3, s7;
	s7 =	simm.s32 @!p0 $0x108  }
0x21: {  	s3 =	sadd.s32 s3, s9;
	s6 =	sadd.s32 @!p0 $0x88, s6;
	s7 =	simm.s32 @p2 $0x1082  }
0x22: {  	[simem:s7], [sflag:s8] =	dma.local @!p0 [hbm:s6], $0xF7A  }
0x23: {  	s9 =	sor.u32 $0xD0000000, s2;
	s6 =	simm.s32 $0x108;
	_ =	swait.ge @!p0 [sflag:s8], $0x0  }
0x24: {  	s3 =	sadd.s32 $0x88, s3;
	s6 =	simm.s32 @!p1 $0x1082;
	[sflag:s4] =	ssyncset.s32 $0xFFFFF086  }
0x25: {  	[simem:s6], [sflag:s4] =	dma.local [hbm:s3], $0xF7A  }
0x26: {  	[smem:$0x3F9D] =	sst s1;
	(tag) =	ssettag s2;
	_ =	strace s9  }
0x27: {  	s1 =	sld [smem:$0x3FAD]  }
0x28: {  	s2 =	sld [smem:$0x3FAE]  }
0x29: {  	s4 =	sld [smem:$0x3FB0]  }
0x2a: {  	p0 =	seq.s32 s5, $0x0;
	s5 =	sld [smem:$0x3FB1]  }
0x2b: {  	s6 =	sld [smem:$0x3FB2]  }
0x2c: {  	s7 =	sld [smem:$0x3FB3]  }
0x2d: {  	s3 =	simm.s32 $0x108;
	s8 =	sld [smem:$0x3FB4]  }
0x2e: {  	s3 =	simm.s32 @!p0 $0x1082;
	s9 =	sld [smem:$0x3FB5]  }
0x2f: {  	lr =	sadd.s32 s0, s3;
	s0 =	sld [smem:$0x3FAC]  }
0x30: {  	s3 =	sld [smem:$0x3FAF]  }
0x31: {  	[smem:$0x3FB8] =	sst s10  }
0x32: {  	s10 =	sld [smem:$0x3FB6];
	_ =	sdelay $0x3  }
0x33: {  	p0 =	seq.s32 s10, $0x1;
	s10 =	sld [smem:$0x3FB8];
	_ =	sdelay $0x3  }
0x34: {  	[smem:$0x3FB8] =	sst s10  }
0x35: {  	s10 =	sld [smem:$0x3FB7];
	_ =	sdelay $0x3  }
0x36: {  	p1 =	seq.s32 s10, $0x1;
	s10 =	sld [smem:$0x3FB8];
	_ =	sdelay $0x3  }
0x37: {  	[smem:$0x3FB8] =	sst s10  }
0x38: {  	s10 =	sld [smem:$0x3FB9]  }
0x39: {  	_ = 	snop;
	(pc) =	sbr.ind lr, $3  }
0x3a: {  	_ = 	snop  }
0x3b: {  	_ = 	snop  }
0x3c: {  	p2 =	seq.s32 s10, $0x1;
	s10 =	sld [smem:$0x3FB8]  }
0x3d: {  	_ =	shalt  }
0x3e: {  	_ =	shalt  }
0x3f: {  	_ =	shalt  }
0x40: {  	_ =	shalt  }
0x41: {  	_ =	shalt  }
0x42: {  	_ =	shalt  }
0x43: {  	_ =	shalt  }
0x44: {  	_ =	shalt  }
0x45: {  	_ =	shalt  }
0x46: {  	_ =	shalt  }
0x47: {  	_ =	shalt  }
0x48: {  	_ =	shalt  }
0x49: {  	_ =	shalt  }
0x4a: {  	_ =	shalt  }
0x4b: {  	_ =	shalt  }
0x4c: {  	_ =	shalt  }
0x4d: {  	_ =	shalt  }
0x4e: {  	_ =	shalt  }
0x4f: {  	_ =	shalt  }
0x50: {  	_ =	shalt  }
0x51: {  	_ =	shalt  }
0x52: {  	_ =	shalt  }
0x53: {  	_ =	shalt  }
0x54: {  	_ =	shalt  }
0x55: {  	_ =	shalt  }
0x56: {  	_ =	shalt  }
0x57: {  	_ =	shalt  }
0x58: {  	_ =	shalt  }
0x59: {  	_ =	shalt  }
0x5a: {  	_ =	shalt  }
0x5b: {  	_ =	shalt  }
0x5c: {  	_ =	shalt  }
0x5d: {  	_ =	shalt  }
0x5e: {  	_ =	shalt  }
0x5f: {  	_ =	shalt  }
0x60: {  	_ =	shalt  }
0x61: {  	_ =	shalt  }
0x62: {  	_ =	shalt  }
0x63: {  	_ =	shalt  }
0x64: {  	_ =	shalt  }
0x65: {  	_ =	shalt  }
0x66: {  	_ =	shalt  }
0x67: {  	_ =	shalt  }
0x68: {  	_ =	shalt  }
0x69: {  	_ =	shalt  }
0x6a: {  	_ =	shalt  }
0x6b: {  	_ =	shalt  }
0x6c: {  	_ =	shalt  }
0x6d: {  	_ =	shalt  }
0x6e: {  	_ =	shalt  }
0x6f: {  	_ =	shalt  }
0x70: {  	_ =	shalt  }
0x71: {  	_ =	shalt  }
0x72: {  	_ =	shalt  }
0x73: {  	_ =	shalt  }
0x74: {  	_ =	shalt  }
0x75: {  	_ =	shalt  }
0x76: {  	_ =	shalt  }
0x77: {  	_ =	shalt  }
0x78: {  	_ =	shalt  }
0x79: {  	_ =	shalt  }
0x7a: {  	_ =	shalt  }
0x7b: {  	_ =	shalt  }
0x7c: {  	_ =	shalt  }
0x7d: {  	_ =	shalt  }
0x7e: {  	_ =	shalt  }
0x7f: {  	_ =	shalt  }
0x80: {  	_ =	shalt  }
0x81: {  	_ =	shalt  }
0x82: {  	_ =	shalt  }
0x83: {  	_ =	shalt  }
0x84: {  	_ =	shalt  }
0x85: {  	_ =	shalt  }
0x86: {  	_ =	shalt  }
0x87: {  	_ =	shalt  }
.Lfunc_end0:
.L_simem_size_0:
called_computation_lowered:
.L_overlay_start_0:
0x88: {  	s2 =	sld [smem:$0x3FD9]  }
0x89: {  	s3 =	sld [smem:$0x3FFE];
	_ =	sdelay $0x1  }
0x8a: {  	s1 =	srdreg.scid  }
0x8b: {  	s0 =	sand.u32 $0x1, s1  }
0x8c: {  	s17 =	sshll.u32 s0, $0xA;
	s2 =	sadd.s32 s3, s2  }
0x8d: {  	s2 =	sadd.s32 s2, s17  }
0x8e: {  	[smem:$0x3FC4] =	sst s2  }
0x8f: {  	_ = 	snop  }
0x90: {  	s2 =	sld [smem:$0x3FD0];
	(tm) =	ssettm $0x1  }
0x91: {  	s18 =	sld [smem:$0x3FFB];
	_ =	sdelay $0x3  }
0x92: {  	_ =	strace s18  }
0x93: {  	s3 =	sld [smem:$0x3FFC];
	_ =	sdelay $0x3  }
0x94: {  	_ =	strace s3  }
0x95: {  	s3 =	sld [smem:$0x3FFD];
	_ =	sdelay $0x3  }
0x96: {  	_ =	strace s3  }
0x97: {  	_ =	strace $0x8FFFFFFF  }
0x98: {  	s19 =	sld [smem:$0x3FDB];
	_ =	sdelay $0x1  }
0x99: {  	s4 =	simm.s32 $_scs_section_size  }
0x9a: {  	s5 =	simm.s32 $_size__tile_overlayer_lowered;
	s6 =	simm.s32 $_tile_overlayer_lowered  }
0x9b: {  	s22 =	simm.s32 $0x1BFF;
	s21 =	sshll.u32 s6, $0x1;
	s3 =	sadd.s32 s4, s19  }
0x9c: {  	s7 =	simm.s32 $0x0;
	s20 =	sshll.u32 s5, $0x1;
	s5 =	sadd.s32 s21, s3  }
0x9d: {  	[timem:s7], [sflag:s22] =	dma.local [hbm:s5], s20  }
0x9e: {  	_ =	swait.ge [sflag:s22], s20  }
0x9f: {  	s4 =	ssub.s32 $0x0, s20;
	[sflag:s22] =	ssyncset.done $0x0  }
0xa0: {  	[sflag:s22] =	ssyncadd.s32 s4;
	_ =	sdelay $0x1  }
0xa1: {  	s23 =	simm.s32 $0x1B8B  }
0xa2: {  	_ =	swait.ge [sflag:s23], $0x1  }
0xa3: {  	[sflag:s23] =	ssyncset.done $0x0  }
0xa4: {  	s25 =	simm.s32 $0x1B8E;
	s24 =	sld [smem:$0x3FFE];
	[sflag:s23] =	ssyncadd.s32 $0xFFFFFFFF  }
0xa5: {  	s26 =	simm.s32 $execute0_lowered;
	[smem:$0x3FD2] =	sst s25  }
0xa6: {  	s5 =	sshll.u32 s26, $0x1;
	_ =	strace $0x80000046;
	[dreg:$0x1] =	wrdreg $0xFFFFFFFF  }
0xa7: {  	s28 =	simm.s32 $_size_execute0_lowered;
	s3 =	sadd.s32 s3, s5;
	[dreg:$0x0] =	wrdreg $0x0  }
0xa8: {  	s5 =	sshll.u32 s28, $0x1;
	[dreg:$0x2] =	wrdreg s3  }
0xa9: {  	[dreg:$0x3] =	wrdreg s5  }
0xaa: {  	[dreg:$0x4] =	wrdreg $0xC0  }
0xab: {  	_ =	task [dreg:s7], $0x5FFFF  }
0xac: {  	[dreg:$0x1] =	wrdreg $0xFFFFFFFF  }
0xad: {  	[dreg:$0x0] =	wrdreg $0x60  }
0xae: {  	[dreg:$0x2] =	wrdreg s2  }
0xaf: {  	[dreg:$0x3] =	wrdreg s24  }
0xb0: {  	[dreg:$0x4] =	wrdreg $0x9  }
0xb1: {  	_ =	task.clear_ibuf [dreg:s7], $0x5FFFF;
	_ =	strace $0x90000046  }
0xb2: {  	s29 =	simm.s32 $0x9;
	_ =	strace $0x80000048  }
0xb3: {  	_ =	swait.ge [sflag:s29], $0x1  }
0xb4: {  	[sflag:s29] =	ssyncadd.s32 $0xFFFFFFFF  }
0xb5: {  	_ =	strace $0x90000048  }
0xb6: {  	_ =	sfence  }
0xb7: {  	s30 =	sld [smem:$0x0];
	_ =	sdelay $0x2  }
0xb8: {  	s31 =	sshll.u32 s1, $0xD;
	s1 =	sshrl.u32 s1, $0x2  }
0xb9: {  	s3 =	sand.u32 $0x4000, s31;
	s1 =	sadd.s32 s1, s30  }
0xba: {  	s0 =	sor.u32 s3, s0;
	s1 =	sshll.u32 s1, $0x11  }
0xbb: {  	s0 =	sor.u32 s1, s0  }
0xbc: {  	s0 =	sadd.s32 $0x8F2B, s0  }
0xbd: {  	[sflag:s0] =	ssyncadd.remote.s32 $0x1  }
0xbe: {  	_ =	sfence.sel $0xFFFF  }
0xbf: {  	[dreg:$0x0] =	wrdreg $0xFFFFFFFF;
	(pc) =	sbr.abs _section_cstart, $3  }
0xc0: {  	[dreg:$0x1] =	wrdreg $0xFFFFFFFF  }
0xc1: {  	_ =	task.clear_ibuf [dreg:s7], $0x2FFFF;
	_ =	strace $0x9FFFFFFF  }
0xc2: {  	(tm) =	ssettm $0x7FFFFFFF  }
0xc3: {  	_ =	shalt  }
tec
execute0_lowered:
.L_overlay_start_1:
0x0: {  	(tag) =	ssettag $0x1  }
0x1: {  	s0 =	rddreg [dreg:$0x0]  }
0x2: {  	s1 =	rddreg [dreg:$0x1];
	s2 =	simm.s32 $0x0  }
0x3: {  	s3 =	srdreg.scid;
	s4 =	stileid.u32;
	s26 =	simm.s32 $0x80  }
0x4: {  	s11 =	simm.s32 $0x900;
	s12 =	simm.s32 $0x1100;
	s13 =	simm.s32 $0x1900  }
0x5: {  	s14 =	simm.s32 $0x2100;
	s15 =	simm.s32 $0x2900;
	s16 =	simm.s32 $0x3100  }
0x6: {  	s17 =	simm.s32 $0x3900;
	s18 =	simm.s32 $0x4100;
	s19 =	simm.s32 $0x4900  }
0x7: {  	s20 =	simm.s32 $0x5100;
	s21 =	simm.s32 $0x5900;
	s28 =	simm.s32 $0x8900  }
0x8: {  	s29 =	simm.s32 $0x9100;
	s30 =	simm.s32 $0x9900;
	s31 =	simm.s32 $0xA100  }
0x9: {  	[smem:$0x7FF] =	sst s2;
	s3 =	sand.u32 $0x1, s3;
	s4 =	sshll.u32 s4, $0x6  }
0xa: {  	s6 =	sadd.s32 $0xC00, s1;
	_ =	strace $0x80000047;
	s5 =	sshll.u32 s3, $0x5  }
0xb: {  	s7 =	ssub.s32 $0x2, s3;
	s3 =	sadd.s32 $0x1000, s1;
	[dreg:$0x7] =	wrdreg s26  }
0xc: {  	s26 =	simm.s32 $0x8100;
	s4 =	sor.u32 s5, s4;
	s22 =	sshrl.u32 s7, $0x1  }
0xd: {  	s5 =	sadd.s32 $0x1200, s1;
	s8 =	smul.u32 $0x300, s4;
	s7 =	ssub.s32 s7, s22  }
0xe: {  	s23 =	sadd.s32 s6, s4;
	s9 =	sor.u32 $0x10, s4;
	s4 =	sadd.s32 $0x1100, s1  }
0xf: {  	s1 =	simm.s32 $0x1;
	s22 =	simm.s32 $0x6100;
	[dreg:$0x3] =	wrdreg s23  }
0x10: {  	s25 =	smul.u32 $0x300, s9;
	s6 =	sadd.s32 s6, s9;
	s23 =	simm.s32 $0x6900  }
0x11: {  	v2 =	vlaneseq.u32;
	s24 =	sadd.s32 s0, s8;
	[dreg:$0x5] =	wrdreg s6;
	s6 =	smax.u32 s7, $0x1  }
0x12: {  	vm0 =	vmmov $0xffff;
	v1 =	vshrl.u32 v2, $0x3;
	s7 =	simm.s32 $0x2;
	[dreg:$0x4] =	wrdreg s24;
	s0 =	sadd.s32 s0, s25  }
0x13: {  	v0 =	vand.u32 $0x7, v2;
	v2 =	vor.u32 $0x8, v2;
	v1 =	vmul.u32 $0x8, v1;
	s24 =	simm.s32 $0x7100;
	s25 =	simm.s32 $0x7900;
	[dreg:$0x6] =	wrdreg s0  }
.LBB2_1:
0x14: {  	s9 =	rddreg [dreg:$0x3]  }
0x15: {  	[tilespmem:s2], [sflag:$0x2] =	stream.linear.gather [hbm4b:s9+s2], $0x80, $0x38;
	[tilespmem:$0x18100] =	vst v63  }
0x16: {  	_ =	swait.ge [sflag:s7], $0x80  }
0x17: {  	[sflag:s7] =	ssyncset.done $0x0  }
0x18: {  	s0 =	simm.s32 $0x100;
	s8 =	rddreg [dreg:$0x4];
	[sflag:s7] =	ssyncadd.s32 $0xFFFFFF80  }
0x19: {  	[tilespmem:s0], [sflag:$0x2] =	stream.linear.gather [hbm4b:s8+s2], $0x18000, $0x38;
	[tilespmem:$0x18100] =	vst v63  }
0x1a: {  	_ =	swait.ge [sflag:s7], $0x18000  }
0x1b: {  	[sflag:s7] =	ssyncset.done $0x0  }
0x1c: {  	[sflag:s7] =	ssyncadd.s32 $0xFFFE8000  }
0x1d: {  	v3 =	vld [tilespmem:$0x0];
	_ =	sdelay $0x4  }
0x1e: {  	v4 =	vshrl.u32 v3, $0x3  }
0x1f: {  	v4 =	vmul.u32 $0x30, v4  }
0x20: {  	v3 =	vand.u32 $0x7, v3  }
0x21: {  	v3 =	vor.u32 v3, v4  }
0x22: {  	v4 =	vperm.xlane v3, v0;
	_ =	sdelay $0x1  }
0x23: {  	v4 =	vadd.s32 v1, v4;
	_ =	sdelay $0x3  }
0x24: {  	v3 =	vperm.xlane v3, v2  }
0x25: {  	[hbm4b:s3+s2] =	stream.indirect_vreg.scatter [tilespmem:s0], [sflag:$0x1], $0x80, v4, vm0, $0xb8;
	[tilespmem:$0x18100] =	vst v63  }
0x26: {  	v3 =	vadd.s32 v1, v3  }
0x27: {  	[hbm4b:s4+s2] =	stream.indirect_vreg.scatter [tilespmem:s11], [sflag:$0x1], $0x80, v4, vm0, $0xb8;
	[tilespmem:$0x18100] =	vst v63  }
0x28: {  	_ = 	snop  }
0x29: {  	[hbm4b:s5+s2] =	stream.indirect_vreg.scatter [tilespmem:s12], [sflag:$0x1], $0x80, v4, vm0, $0xb8;
	[tilespmem:$0x18100] =	vst v63  }
0x2a: {  	_ = 	snop  }
0x2b: {  	[hbm4b:s3+s2] =	stream.indirect_vreg.scatter [tilespmem:s13], [sflag:$0x1], $0x80, v3, vm0, $0xb8;
	[tilespmem:$0x18100] =	vst v63  }
0x2c: {  	_ = 	snop  }
0x2d: {  	[hbm4b:s4+s2] =	stream.indirect_vreg.scatter [tilespmem:s14], [sflag:$0x1], $0x80, v3, vm0, $0xb8;
	[tilespmem:$0x18100] =	vst v63  }
0x2e: {  	_ = 	snop  }
0x2f: {  	[hbm4b:s5+s2] =	stream.indirect_vreg.scatter [tilespmem:s15], [sflag:$0x1], $0x80, v3, vm0, $0xb8;
	[tilespmem:$0x18100] =	vst v63  }
0x30: {  	v3 =	vld [tilespmem:$0x10];
	_ =	sdelay $0x4  }
0x31: {  	v49 =	vshrl.u32 v3, $0x3  }
0x32: {  	v4 =	vmul.u32 $0x30, v49  }
0x33: {  	v3 =	vand.u32 $0x7, v3  }
0x34: {  	v3 =	vor.u32 v3, v4  }
0x35: {  	v4 =	vperm.xlane v3, v0;
	_ =	sdelay $0x1  }
0x36: {  	v4 =	vadd.s32 v1, v4;
	_ =	sdelay $0x3  }
0x37: {  	v3 =	vperm.xlane v3, v2  }
0x38: {  	[hbm4b:s3+s2] =	stream.indirect_vreg.scatter [tilespmem:s16], [sflag:$0x1], $0x80, v4, vm0, $0xb8;
	[tilespmem:$0x18100] =	vst v63  }
0x39: {  	v3 =	vadd.s32 v1, v3  }
0x3a: {  	[hbm4b:s4+s2] =	stream.indirect_vreg.scatter [tilespmem:s17], [sflag:$0x1], $0x80, v4, vm0, $0xb8;
	[tilespmem:$0x18100] =	vst v63  }
0x3b: {  	_ = 	snop  }
0x3c: {  	[hbm4b:s5+s2] =	stream.indirect_vreg.scatter [tilespmem:s18], [sflag:$0x1], $0x80, v4, vm0, $0xb8;
	[tilespmem:$0x18100] =	vst v63  }
0x3d: {  	_ = 	snop  }
0x3e: {  	[hbm4b:s3+s2] =	stream.indirect_vreg.scatter [tilespmem:s19], [sflag:$0x1], $0x80, v3, vm0, $0xb8;
	[tilespmem:$0x18100] =	vst v63  }
0x3f: {  	_ = 	snop  }
0x40: {  	[hbm4b:s4+s2] =	stream.indirect_vreg.scatter [tilespmem:s20], [sflag:$0x1], $0x80, v3, vm0, $0xb8;
	[tilespmem:$0x18100] =	vst v63  }
0x41: {  	_ = 	snop  }
0x42: {  	[hbm4b:s5+s2] =	stream.indirect_vreg.scatter [tilespmem:s21], [sflag:$0x1], $0x80, v3, vm0, $0xb8;
	[tilespmem:$0x18100] =	vst v63  }
0x43: {  	v3 =	vld [tilespmem:$0x20];
	_ =	sdelay $0x4  }
0x44: {  	v50 =	vshrl.u32 v3, $0x3  }
0x45: {  	v4 =	vmul.u32 $0x30, v50  }
0x46: {  	v3 =	vand.u32 $0x7, v3  }
0x47: {  	v3 =	vor.u32 v3, v4  }
0x48: {  	v4 =	vperm.xlane v3, v0;
	_ =	sdelay $0x1  }
0x49: {  	v4 =	vadd.s32 v1, v4;
	_ =	sdelay $0x3  }
0x4a: {  	v3 =	vperm.xlane v3, v2  }
0x4b: {  	[hbm4b:s3+s2] =	stream.indirect_vreg.scatter [tilespmem:s22], [sflag:$0x1], $0x80, v4, vm0, $0xb8;
	[tilespmem:$0x18100] =	vst v63  }
0x4c: {  	v3 =	vadd.s32 v1, v3  }
0x4d: {  	[hbm4b:s4+s2] =	stream.indirect_vreg.scatter [tilespmem:s23], [sflag:$0x1], $0x80, v4, vm0, $0xb8;
	[tilespmem:$0x18100] =	vst v63  }
0x4e: {  	_ = 	snop  }
0x4f: {  	[hbm4b:s5+s2] =	stream.indirect_vreg.scatter [tilespmem:s24], [sflag:$0x1], $0x80, v4, vm0, $0xb8;
	[tilespmem:$0x18100] =	vst v63  }
0x50: {  	_ = 	snop  }
0x51: {  	[hbm4b:s3+s2] =	stream.indirect_vreg.scatter [tilespmem:s25], [sflag:$0x1], $0x80, v3, vm0, $0xb8;
	[tilespmem:$0x18100] =	vst v63  }
0x52: {  	_ = 	snop  }
0x53: {  	[hbm4b:s4+s2] =	stream.indirect_vreg.scatter [tilespmem:s26], [sflag:$0x1], $0x80, v3, vm0, $0xb8;
	[tilespmem:$0x18100] =	vst v63  }
0x54: {  	_ = 	snop  }
0x55: {  	[hbm4b:s5+s2] =	stream.indirect_vreg.scatter [tilespmem:s28], [sflag:$0x1], $0x80, v3, vm0, $0xb8;
	[tilespmem:$0x18100] =	vst v63  }
0x56: {  	v3 =	vld [tilespmem:$0x30];
	_ =	sdelay $0x4  }
0x57: {  	v51 =	vshrl.u32 v3, $0x3  }
0x58: {  	v4 =	vmul.u32 $0x30, v51  }
0x59: {  	v3 =	vand.u32 $0x7, v3  }
0x5a: {  	v3 =	vor.u32 v3, v4  }
0x5b: {  	v4 =	vperm.xlane v3, v0;
	_ =	sdelay $0x1  }
0x5c: {  	v4 =	vadd.s32 v1, v4;
	_ =	sdelay $0x3  }
0x5d: {  	v3 =	vperm.xlane v3, v2  }
0x5e: {  	[hbm4b:s3+s2] =	stream.indirect_vreg.scatter [tilespmem:s29], [sflag:$0x1], $0x80, v4, vm0, $0xb8;
	[tilespmem:$0x18100] =	vst v63  }
0x5f: {  	v3 =	vadd.s32 v1, v3  }
0x60: {  	[hbm4b:s4+s2] =	stream.indirect_vreg.scatter [tilespmem:s30], [sflag:$0x1], $0x80, v4, vm0, $0xb8;
	[tilespmem:$0x18100] =	vst v63  }
0x61: {  	_ = 	snop  }
0x62: {  	[hbm4b:s5+s2] =	stream.indirect_vreg.scatter [tilespmem:s31], [sflag:$0x1], $0x80, v4, vm0, $0xb8;
	[tilespmem:$0x18100] =	vst v63  }
0x63: {  	s8 =	simm.s32 $0xA900  }
0x64: {  	[hbm4b:s3+s2] =	stream.indirect_vreg.scatter [tilespmem:s8], [sflag:$0x1], $0x80, v3, vm0, $0xb8;
	[tilespmem:$0x18100] =	vst v63  }
0x65: {  	s8 =	simm.s32 $0xB100  }
0x66: {  	[hbm4b:s4+s2] =	stream.indirect_vreg.scatter [tilespmem:s8], [sflag:$0x1], $0x80, v3, vm0, $0xb8;
	[tilespmem:$0x18100] =	vst v63  }
0x67: {  	s10 =	simm.s32 $0xB900  }
0x68: {  	[hbm4b:s5+s2] =	stream.indirect_vreg.scatter [tilespmem:s10], [sflag:$0x1], $0x80, v3, vm0, $0xb8;
	[tilespmem:$0x18100] =	vst v63  }
0x69: {  	v3 =	vld [tilespmem:$0x40];
	_ =	sdelay $0x4  }
0x6a: {  	v52 =	vshrl.u32 v3, $0x3  }
0x6b: {  	v4 =	vmul.u32 $0x30, v52  }
0x6c: {  	v3 =	vand.u32 $0x7, v3  }
0x6d: {  	v3 =	vor.u32 v3, v4  }
0x6e: {  	v4 =	vperm.xlane v3, v0;
	_ =	sdelay $0x1  }
0x6f: {  	v4 =	vadd.s32 v1, v4;
	_ =	sdelay $0x3  }
0x70: {  	s10 =	simm.s32 $0xC100;
	v3 =	vperm.xlane v3, v2  }
0x71: {  	[hbm4b:s3+s2] =	stream.indirect_vreg.scatter [tilespmem:s10], [sflag:$0x1], $0x80, v4, vm0, $0xb8;
	[tilespmem:$0x18100] =	vst v63  }
0x72: {  	v3 =	vadd.s32 v1, v3;
	s10 =	simm.s32 $0xC900  }
0x73: {  	[hbm4b:s4+s2] =	stream.indirect_vreg.scatter [tilespmem:s10], [sflag:$0x1], $0x80, v4, vm0, $0xb8;
	[tilespmem:$0x18100] =	vst v63  }
0x74: {  	s10 =	simm.s32 $0xD100  }
0x75: {  	[hbm4b:s5+s2] =	stream.indirect_vreg.scatter [tilespmem:s10], [sflag:$0x1], $0x80, v4, vm0, $0xb8;
	[tilespmem:$0x18100] =	vst v63  }
0x76: {  	s10 =	simm.s32 $0xD900  }
0x77: {  	[hbm4b:s3+s2] =	stream.indirect_vreg.scatter [tilespmem:s10], [sflag:$0x1], $0x80, v3, vm0, $0xb8;
	[tilespmem:$0x18100] =	vst v63  }
0x78: {  	s10 =	simm.s32 $0xE100  }
0x79: {  	[hbm4b:s4+s2] =	stream.indirect_vreg.scatter [tilespmem:s10], [sflag:$0x1], $0x80, v3, vm0, $0xb8;
	[tilespmem:$0x18100] =	vst v63  }
0x7a: {  	s10 =	simm.s32 $0xE900  }
0x7b: {  	[hbm4b:s5+s2] =	stream.indirect_vreg.scatter [tilespmem:s10], [sflag:$0x1], $0x80, v3, vm0, $0xb8;
	[tilespmem:$0x18100] =	vst v63  }
0x7c: {  	v3 =	vld [tilespmem:$0x50];
	_ =	sdelay $0x4  }
0x7d: {  	v53 =	vshrl.u32 v3, $0x3  }
0x7e: {  	v4 =	vmul.u32 $0x30, v53  }
0x7f: {  	v3 =	vand.u32 $0x7, v3  }
0x80: {  	v3 =	vor.u32 v3, v4  }
0x81: {  	v4 =	vperm.xlane v3, v0;
	_ =	sdelay $0x1  }
0x82: {  	v4 =	vadd.s32 v1, v4;
	_ =	sdelay $0x3  }
0x83: {  	s10 =	simm.s32 $0xF100;
	v3 =	vperm.xlane v3, v2  }
0x84: {  	[hbm4b:s3+s2] =	stream.indirect_vreg.scatter [tilespmem:s10], [sflag:$0x1], $0x80, v4, vm0, $0xb8;
	[tilespmem:$0x18100] =	vst v63  }
0x85: {  	v3 =	vadd.s32 v1, v3;
	s10 =	simm.s32 $0xF900  }
0x86: {  	[hbm4b:s4+s2] =	stream.indirect_vreg.scatter [tilespmem:s10], [sflag:$0x1], $0x80, v4, vm0, $0xb8;
	[tilespmem:$0x18100] =	vst v63  }
0x87: {  	s10 =	simm.s32 $0x10100  }
0x88: {  	[hbm4b:s5+s2] =	stream.indirect_vreg.scatter [tilespmem:s10], [sflag:$0x1], $0x80, v4, vm0, $0xb8;
	[tilespmem:$0x18100] =	vst v63  }
0x89: {  	s10 =	simm.s32 $0x10900  }
0x8a: {  	[hbm4b:s3+s2] =	stream.indirect_vreg.scatter [tilespmem:s10], [sflag:$0x1], $0x80, v3, vm0, $0xb8;
	[tilespmem:$0x18100] =	vst v63  }
0x8b: {  	s10 =	simm.s32 $0x11100  }
0x8c: {  	[hbm4b:s4+s2] =	stream.indirect_vreg.scatter [tilespmem:s10], [sflag:$0x1], $0x80, v3, vm0, $0xb8;
	[tilespmem:$0x18100] =	vst v63  }
0x8d: {  	s10 =	simm.s32 $0x11900  }
0x8e: {  	[hbm4b:s5+s2] =	stream.indirect_vreg.scatter [tilespmem:s10], [sflag:$0x1], $0x80, v3, vm0, $0xb8;
	[tilespmem:$0x18100] =	vst v63  }
0x8f: {  	v3 =	vld [tilespmem:$0x60];
	_ =	sdelay $0x4  }
0x90: {  	v54 =	vshrl.u32 v3, $0x3  }
0x91: {  	v4 =	vmul.u32 $0x30, v54  }
0x92: {  	v3 =	vand.u32 $0x7, v3  }
0x93: {  	v3 =	vor.u32 v3, v4  }
0x94: {  	v4 =	vperm.xlane v3, v0;
	_ =	sdelay $0x1  }
0x95: {  	v4 =	vadd.s32 v1, v4;
	_ =	sdelay $0x3  }
0x96: {  	s10 =	simm.s32 $0x12100;
	v3 =	vperm.xlane v3, v2  }
0x97: {  	[hbm4b:s3+s2] =	stream.indirect_vreg.scatter [tilespmem:s10], [sflag:$0x1], $0x80, v4, vm0, $0xb8;
	[tilespmem:$0x18100] =	vst v63  }
0x98: {  	v3 =	vadd.s32 v1, v3;
	s10 =	simm.s32 $0x12900  }
0x99: {  	[hbm4b:s4+s2] =	stream.indirect_vreg.scatter [tilespmem:s10], [sflag:$0x1], $0x80, v4, vm0, $0xb8;
	[tilespmem:$0x18100] =	vst v63  }
0x9a: {  	s10 =	simm.s32 $0x13100  }
0x9b: {  	[hbm4b:s5+s2] =	stream.indirect_vreg.scatter [tilespmem:s10], [sflag:$0x1], $0x80, v4, vm0, $0xb8;
	[tilespmem:$0x18100] =	vst v63  }
0x9c: {  	s10 =	simm.s32 $0x13900  }
0x9d: {  	[hbm4b:s3+s2] =	stream.indirect_vreg.scatter [tilespmem:s10], [sflag:$0x1], $0x80, v3, vm0, $0xb8;
	[tilespmem:$0x18100] =	vst v63  }
0x9e: {  	s10 =	simm.s32 $0x14100  }
0x9f: {  	[hbm4b:s4+s2] =	stream.indirect_vreg.scatter [tilespmem:s10], [sflag:$0x1], $0x80, v3, vm0, $0xb8;
	[tilespmem:$0x18100] =	vst v63  }
0xa0: {  	s10 =	simm.s32 $0x14900  }
0xa1: {  	[hbm4b:s5+s2] =	stream.indirect_vreg.scatter [tilespmem:s10], [sflag:$0x1], $0x80, v3, vm0, $0xb8;
	[tilespmem:$0x18100] =	vst v63  }
0xa2: {  	v3 =	vld [tilespmem:$0x70];
	_ =	sdelay $0x4  }
0xa3: {  	v55 =	vshrl.u32 v3, $0x3  }
0xa4: {  	v4 =	vmul.u32 $0x30, v55  }
0xa5: {  	v3 =	vand.u32 $0x7, v3  }
0xa6: {  	v3 =	vor.u32 v3, v4  }
0xa7: {  	v4 =	vperm.xlane v3, v0;
	_ =	sdelay $0x1  }
0xa8: {  	v4 =	vadd.s32 v1, v4;
	_ =	sdelay $0x3  }
0xa9: {  	s10 =	simm.s32 $0x15100;
	v3 =	vperm.xlane v3, v2  }
0xaa: {  	[hbm4b:s3+s2] =	stream.indirect_vreg.scatter [tilespmem:s10], [sflag:$0x1], $0x80, v4, vm0, $0xb8;
	[tilespmem:$0x18100] =	vst v63  }
0xab: {  	v3 =	vadd.s32 v1, v3;
	s10 =	simm.s32 $0x15900  }
0xac: {  	[hbm4b:s4+s2] =	stream.indirect_vreg.scatter [tilespmem:s10], [sflag:$0x1], $0x80, v4, vm0, $0xb8;
	[tilespmem:$0x18100] =	vst v63  }
0xad: {  	s10 =	simm.s32 $0x16100  }
0xae: {  	[hbm4b:s5+s2] =	stream.indirect_vreg.scatter [tilespmem:s10], [sflag:$0x1], $0x80, v4, vm0, $0xb8;
	[tilespmem:$0x18100] =	vst v63  }
0xaf: {  	s10 =	simm.s32 $0x16900  }
0xb0: {  	[hbm4b:s3+s2] =	stream.indirect_vreg.scatter [tilespmem:s10], [sflag:$0x1], $0x80, v3, vm0, $0xb8;
	[tilespmem:$0x18100] =	vst v63  }
0xb1: {  	s10 =	simm.s32 $0x17100  }
0xb2: {  	[hbm4b:s4+s2] =	stream.indirect_vreg.scatter [tilespmem:s10], [sflag:$0x1], $0x80, v3, vm0, $0xb8;
	[tilespmem:$0x18100] =	vst v63  }
0xb3: {  	s10 =	simm.s32 $0x17900  }
0xb4: {  	[hbm4b:s5+s2] =	stream.indirect_vreg.scatter [tilespmem:s10], [sflag:$0x1], $0x80, v3, vm0, $0xb8;
	[tilespmem:$0x18100] =	vst v63  }
0xb5: {  	_ =	swait.ge [sflag:s1], $0x18000  }
0xb6: {  	s9 =	rddreg [dreg:$0x5];
	[sflag:s1] =	ssyncset.done $0x0  }
0xb7: {  	s10 =	rddreg [dreg:$0x7];
	[sflag:s1] =	ssyncadd.s32 $0xFFFE8000  }
0xb8: {  	[tilespmem:s10], [sflag:$0x2] =	stream.linear.gather [hbm4b:s9+s2], $0x80, $0x38;
	[tilespmem:$0x18100] =	vst v63  }
0xb9: {  	_ =	swait.ge [sflag:s7], $0x80  }
0xba: {  	[sflag:s7] =	ssyncset.done $0x0  }
0xbb: {  	s10 =	rddreg [dreg:$0x6];
	[sflag:s7] =	ssyncadd.s32 $0xFFFFFF80  }
0xbc: {  	[tilespmem:s0], [sflag:$0x2] =	stream.linear.gather [hbm4b:s10+s2], $0x18000, $0x38;
	[tilespmem:$0x18100] =	vst v63  }
0xbd: {  	_ =	swait.ge [sflag:s7], $0x18000  }
0xbe: {  	[sflag:s7] =	ssyncset.done $0x0  }
0xbf: {  	[sflag:s7] =	ssyncadd.s32 $0xFFFE8000  }
0xc0: {  	v3 =	vld [tilespmem:$0x80];
	_ =	sdelay $0x4  }
0xc1: {  	v56 =	vshrl.u32 v3, $0x3  }
0xc2: {  	v4 =	vmul.u32 $0x30, v56  }
0xc3: {  	v3 =	vand.u32 $0x7, v3  }
0xc4: {  	v3 =	vor.u32 v3, v4  }
0xc5: {  	v4 =	vperm.xlane v3, v0;
	_ =	sdelay $0x1  }
0xc6: {  	v4 =	vadd.s32 v1, v4;
	_ =	sdelay $0x3  }
0xc7: {  	v3 =	vperm.xlane v3, v2  }
0xc8: {  	[hbm4b:s3+s2] =	stream.indirect_vreg.scatter [tilespmem:s0], [sflag:$0x1], $0x80, v4, vm0, $0xb8;
	[tilespmem:$0x18100] =	vst v63  }
0xc9: {  	v3 =	vadd.s32 v1, v3  }
0xca: {  	[hbm4b:s4+s2] =	stream.indirect_vreg.scatter [tilespmem:s11], [sflag:$0x1], $0x80, v4, vm0, $0xb8;
	[tilespmem:$0x18100] =	vst v63  }
0xcb: {  	_ = 	snop  }
0xcc: {  	[hbm4b:s5+s2] =	stream.indirect_vreg.scatter [tilespmem:s12], [sflag:$0x1], $0x80, v4, vm0, $0xb8;
	[tilespmem:$0x18100] =	vst v63  }
0xcd: {  	_ = 	snop  }
0xce: {  	[hbm4b:s3+s2] =	stream.indirect_vreg.scatter [tilespmem:s13], [sflag:$0x1], $0x80, v3, vm0, $0xb8;
	[tilespmem:$0x18100] =	vst v63  }
0xcf: {  	_ = 	snop  }
0xd0: {  	[hbm4b:s4+s2] =	stream.indirect_vreg.scatter [tilespmem:s14], [sflag:$0x1], $0x80, v3, vm0, $0xb8;
	[tilespmem:$0x18100] =	vst v63  }
0xd1: {  	_ = 	snop  }
0xd2: {  	[hbm4b:s5+s2] =	stream.indirect_vreg.scatter [tilespmem:s15], [sflag:$0x1], $0x80, v3, vm0, $0xb8;
	[tilespmem:$0x18100] =	vst v63  }
0xd3: {  	v3 =	vld [tilespmem:$0x90];
	_ =	sdelay $0x4  }
0xd4: {  	v57 =	vshrl.u32 v3, $0x3  }
0xd5: {  	v4 =	vmul.u32 $0x30, v57  }
0xd6: {  	v3 =	vand.u32 $0x7, v3  }
0xd7: {  	v3 =	vor.u32 v3, v4  }
0xd8: {  	v4 =	vperm.xlane v3, v0;
	_ =	sdelay $0x1  }
0xd9: {  	v4 =	vadd.s32 v1, v4;
	_ =	sdelay $0x3  }
0xda: {  	v3 =	vperm.xlane v3, v2  }
0xdb: {  	[hbm4b:s3+s2] =	stream.indirect_vreg.scatter [tilespmem:s16], [sflag:$0x1], $0x80, v4, vm0, $0xb8;
	[tilespmem:$0x18100] =	vst v63  }
0xdc: {  	v3 =	vadd.s32 v1, v3  }
0xdd: {  	[hbm4b:s4+s2] =	stream.indirect_vreg.scatter [tilespmem:s17], [sflag:$0x1], $0x80, v4, vm0, $0xb8;
	[tilespmem:$0x18100] =	vst v63  }
0xde: {  	_ = 	snop  }
0xdf: {  	[hbm4b:s5+s2] =	stream.indirect_vreg.scatter [tilespmem:s18], [sflag:$0x1], $0x80, v4, vm0, $0xb8;
	[tilespmem:$0x18100] =	vst v63  }
0xe0: {  	_ = 	snop  }
0xe1: {  	[hbm4b:s3+s2] =	stream.indirect_vreg.scatter [tilespmem:s19], [sflag:$0x1], $0x80, v3, vm0, $0xb8;
	[tilespmem:$0x18100] =	vst v63  }
0xe2: {  	_ = 	snop  }
0xe3: {  	[hbm4b:s4+s2] =	stream.indirect_vreg.scatter [tilespmem:s20], [sflag:$0x1], $0x80, v3, vm0, $0xb8;
	[tilespmem:$0x18100] =	vst v63  }
0xe4: {  	_ = 	snop  }
0xe5: {  	[hbm4b:s5+s2] =	stream.indirect_vreg.scatter [tilespmem:s21], [sflag:$0x1], $0x80, v3, vm0, $0xb8;
	[tilespmem:$0x18100] =	vst v63  }
0xe6: {  	v3 =	vld [tilespmem:$0xA0];
	_ =	sdelay $0x4  }
0xe7: {  	v58 =	vshrl.u32 v3, $0x3  }
0xe8: {  	v4 =	vmul.u32 $0x30, v58  }
0xe9: {  	v3 =	vand.u32 $0x7, v3  }
0xea: {  	v3 =	vor.u32 v3, v4  }
0xeb: {  	v4 =	vperm.xlane v3, v0;
	_ =	sdelay $0x1  }
0xec: {  	v4 =	vadd.s32 v1, v4;
	_ =	sdelay $0x3  }
0xed: {  	v3 =	vperm.xlane v3, v2  }
0xee: {  	[hbm4b:s3+s2] =	stream.indirect_vreg.scatter [tilespmem:s22], [sflag:$0x1], $0x80, v4, vm0, $0xb8;
	[tilespmem:$0x18100] =	vst v63  }
0xef: {  	v3 =	vadd.s32 v1, v3  }
0xf0: {  	[hbm4b:s4+s2] =	stream.indirect_vreg.scatter [tilespmem:s23], [sflag:$0x1], $0x80, v4, vm0, $0xb8;
	[tilespmem:$0x18100] =	vst v63  }
0xf1: {  	_ = 	snop  }
0xf2: {  	[hbm4b:s5+s2] =	stream.indirect_vreg.scatter [tilespmem:s24], [sflag:$0x1], $0x80, v4, vm0, $0xb8;
	[tilespmem:$0x18100] =	vst v63  }
0xf3: {  	_ = 	snop  }
0xf4: {  	[hbm4b:s3+s2] =	stream.indirect_vreg.scatter [tilespmem:s25], [sflag:$0x1], $0x80, v3, vm0, $0xb8;
	[tilespmem:$0x18100] =	vst v63  }
0xf5: {  	_ = 	snop  }
0xf6: {  	[hbm4b:s4+s2] =	stream.indirect_vreg.scatter [tilespmem:s26], [sflag:$0x1], $0x80, v3, vm0, $0xb8;
	[tilespmem:$0x18100] =	vst v63  }
0xf7: {  	_ = 	snop  }
0xf8: {  	[hbm4b:s5+s2] =	stream.indirect_vreg.scatter [tilespmem:s28], [sflag:$0x1], $0x80, v3, vm0, $0xb8;
	[tilespmem:$0x18100] =	vst v63  }
0xf9: {  	v3 =	vld [tilespmem:$0xB0];
	_ =	sdelay $0x4  }
0xfa: {  	v59 =	vshrl.u32 v3, $0x3  }
0xfb: {  	v4 =	vmul.u32 $0x30, v59  }
0xfc: {  	v3 =	vand.u32 $0x7, v3  }
0xfd: {  	v3 =	vor.u32 v3, v4  }
0xfe: {  	v4 =	vperm.xlane v3, v0;
	_ =	sdelay $0x1  }
0xff: {  	v4 =	vadd.s32 v1, v4;
	_ =	sdelay $0x3  }
0x100: {  	v3 =	vperm.xlane v3, v2  }
0x101: {  	[hbm4b:s3+s2] =	stream.indirect_vreg.scatter [tilespmem:s29], [sflag:$0x1], $0x80, v4, vm0, $0xb8;
	[tilespmem:$0x18100] =	vst v63  }
0x102: {  	v3 =	vadd.s32 v1, v3  }
0x103: {  	[hbm4b:s4+s2] =	stream.indirect_vreg.scatter [tilespmem:s30], [sflag:$0x1], $0x80, v4, vm0, $0xb8;
	[tilespmem:$0x18100] =	vst v63  }
0x104: {  	_ = 	snop  }
0x105: {  	[hbm4b:s5+s2] =	stream.indirect_vreg.scatter [tilespmem:s31], [sflag:$0x1], $0x80, v4, vm0, $0xb8;
	[tilespmem:$0x18100] =	vst v63  }
0x106: {  	s9 =	simm.s32 $0xA900  }
0x107: {  	[hbm4b:s3+s2] =	stream.indirect_vreg.scatter [tilespmem:s9], [sflag:$0x1], $0x80, v3, vm0, $0xb8;
	[tilespmem:$0x18100] =	vst v63  }
0x108: {  	_ = 	snop  }
0x109: {  	[hbm4b:s4+s2] =	stream.indirect_vreg.scatter [tilespmem:s8], [sflag:$0x1], $0x80, v3, vm0, $0xb8;
	[tilespmem:$0x18100] =	vst v63  }
0x10a: {  	s10 =	simm.s32 $0xB900  }
0x10b: {  	[hbm4b:s5+s2] =	stream.indirect_vreg.scatter [tilespmem:s10], [sflag:$0x1], $0x80, v3, vm0, $0xb8;
	[tilespmem:$0x18100] =	vst v63  }
0x10c: {  	v3 =	vld [tilespmem:$0xC0];
	_ =	sdelay $0x4  }
0x10d: {  	v60 =	vshrl.u32 v3, $0x3  }
0x10e: {  	v4 =	vmul.u32 $0x30, v60  }
0x10f: {  	v3 =	vand.u32 $0x7, v3  }
0x110: {  	v3 =	vor.u32 v3, v4  }
0x111: {  	v4 =	vperm.xlane v3, v0;
	_ =	sdelay $0x1  }
0x112: {  	v4 =	vadd.s32 v1, v4;
	_ =	sdelay $0x3  }
0x113: {  	s8 =	simm.s32 $0xC100;
	v3 =	vperm.xlane v3, v2  }
0x114: {  	[hbm4b:s3+s2] =	stream.indirect_vreg.scatter [tilespmem:s8], [sflag:$0x1], $0x80, v4, vm0, $0xb8;
	[tilespmem:$0x18100] =	vst v63  }
0x115: {  	s9 =	simm.s32 $0xC900;
	v3 =	vadd.s32 v1, v3  }
0x116: {  	[hbm4b:s4+s2] =	stream.indirect_vreg.scatter [tilespmem:s9], [sflag:$0x1], $0x80, v4, vm0, $0xb8;
	[tilespmem:$0x18100] =	vst v63  }
0x117: {  	s10 =	simm.s32 $0xD100  }
0x118: {  	[hbm4b:s5+s2] =	stream.indirect_vreg.scatter [tilespmem:s10], [sflag:$0x1], $0x80, v4, vm0, $0xb8;
	[tilespmem:$0x18100] =	vst v63  }
0x119: {  	s8 =	simm.s32 $0xD900  }
0x11a: {  	[hbm4b:s3+s2] =	stream.indirect_vreg.scatter [tilespmem:s8], [sflag:$0x1], $0x80, v3, vm0, $0xb8;
	[tilespmem:$0x18100] =	vst v63  }
0x11b: {  	s9 =	simm.s32 $0xE100  }
0x11c: {  	[hbm4b:s4+s2] =	stream.indirect_vreg.scatter [tilespmem:s9], [sflag:$0x1], $0x80, v3, vm0, $0xb8;
	[tilespmem:$0x18100] =	vst v63  }
0x11d: {  	s10 =	simm.s32 $0xE900  }
0x11e: {  	[hbm4b:s5+s2] =	stream.indirect_vreg.scatter [tilespmem:s10], [sflag:$0x1], $0x80, v3, vm0, $0xb8;
	[tilespmem:$0x18100] =	vst v63  }
0x11f: {  	v3 =	vld [tilespmem:$0xD0];
	_ =	sdelay $0x4  }
0x120: {  	v61 =	vshrl.u32 v3, $0x3  }
0x121: {  	v4 =	vmul.u32 $0x30, v61  }
0x122: {  	v3 =	vand.u32 $0x7, v3  }
0x123: {  	v3 =	vor.u32 v3, v4  }
0x124: {  	v4 =	vperm.xlane v3, v0;
	_ =	sdelay $0x1  }
0x125: {  	v4 =	vadd.s32 v1, v4;
	_ =	sdelay $0x3  }
0x126: {  	s8 =	simm.s32 $0xF100;
	v3 =	vperm.xlane v3, v2  }
0x127: {  	[hbm4b:s3+s2] =	stream.indirect_vreg.scatter [tilespmem:s8], [sflag:$0x1], $0x80, v4, vm0, $0xb8;
	[tilespmem:$0x18100] =	vst v63  }
0x128: {  	s9 =	simm.s32 $0xF900;
	v3 =	vadd.s32 v1, v3  }
0x129: {  	[hbm4b:s4+s2] =	stream.indirect_vreg.scatter [tilespmem:s9], [sflag:$0x1], $0x80, v4, vm0, $0xb8;
	[tilespmem:$0x18100] =	vst v63  }
0x12a: {  	s10 =	simm.s32 $0x10100  }
0x12b: {  	[hbm4b:s5+s2] =	stream.indirect_vreg.scatter [tilespmem:s10], [sflag:$0x1], $0x80, v4, vm0, $0xb8;
	[tilespmem:$0x18100] =	vst v63  }
0x12c: {  	s8 =	simm.s32 $0x10900  }
0x12d: {  	[hbm4b:s3+s2] =	stream.indirect_vreg.scatter [tilespmem:s8], [sflag:$0x1], $0x80, v3, vm0, $0xb8;
	[tilespmem:$0x18100] =	vst v63  }
0x12e: {  	s9 =	simm.s32 $0x11100  }
0x12f: {  	[hbm4b:s4+s2] =	stream.indirect_vreg.scatter [tilespmem:s9], [sflag:$0x1], $0x80, v3, vm0, $0xb8;
	[tilespmem:$0x18100] =	vst v63  }
0x130: {  	s10 =	simm.s32 $0x11900  }
0x131: {  	[hbm4b:s5+s2] =	stream.indirect_vreg.scatter [tilespmem:s10], [sflag:$0x1], $0x80, v3, vm0, $0xb8;
	[tilespmem:$0x18100] =	vst v63  }
0x132: {  	v3 =	vld [tilespmem:$0xE0];
	_ =	sdelay $0x4  }
0x133: {  	v62 =	vshrl.u32 v3, $0x3  }
0x134: {  	v4 =	vmul.u32 $0x30, v62  }
0x135: {  	v3 =	vand.u32 $0x7, v3  }
0x136: {  	v3 =	vor.u32 v3, v4  }
0x137: {  	v4 =	vperm.xlane v3, v0;
	_ =	sdelay $0x1  }
0x138: {  	v4 =	vadd.s32 v1, v4;
	_ =	sdelay $0x3  }
0x139: {  	s8 =	simm.s32 $0x12100;
	v3 =	vperm.xlane v3, v2  }
0x13a: {  	[hbm4b:s3+s2] =	stream.indirect_vreg.scatter [tilespmem:s8], [sflag:$0x1], $0x80, v4, vm0, $0xb8;
	[tilespmem:$0x18100] =	vst v63  }
0x13b: {  	s9 =	simm.s32 $0x12900;
	v3 =	vadd.s32 v1, v3  }
0x13c: {  	[hbm4b:s4+s2] =	stream.indirect_vreg.scatter [tilespmem:s9], [sflag:$0x1], $0x80, v4, vm0, $0xb8;
	[tilespmem:$0x18100] =	vst v63  }
0x13d: {  	s10 =	simm.s32 $0x13100  }
0x13e: {  	[hbm4b:s5+s2] =	stream.indirect_vreg.scatter [tilespmem:s10], [sflag:$0x1], $0x80, v4, vm0, $0xb8;
	[tilespmem:$0x18100] =	vst v63  }
0x13f: {  	s8 =	simm.s32 $0x13900  }
0x140: {  	[hbm4b:s3+s2] =	stream.indirect_vreg.scatter [tilespmem:s8], [sflag:$0x1], $0x80, v3, vm0, $0xb8;
	[tilespmem:$0x18100] =	vst v63  }
0x141: {  	s9 =	simm.s32 $0x14100  }
0x142: {  	[hbm4b:s4+s2] =	stream.indirect_vreg.scatter [tilespmem:s9], [sflag:$0x1], $0x80, v3, vm0, $0xb8;
	[tilespmem:$0x18100] =	vst v63  }
0x143: {  	s10 =	simm.s32 $0x14900  }
0x144: {  	[hbm4b:s5+s2] =	stream.indirect_vreg.scatter [tilespmem:s10], [sflag:$0x1], $0x80, v3, vm0, $0xb8;
	[tilespmem:$0x18100] =	vst v63  }
0x145: {  	v3 =	vld [tilespmem:$0xF0];
	_ =	sdelay $0x4  }
0x146: {  	v63 =	vshrl.u32 v3, $0x3  }
0x147: {  	v4 =	vmul.u32 $0x30, v63  }
0x148: {  	v3 =	vand.u32 $0x7, v3  }
0x149: {  	v3 =	vor.u32 v3, v4  }
0x14a: {  	v4 =	vperm.xlane v3, v0;
	_ =	sdelay $0x1  }
0x14b: {  	v4 =	vadd.s32 v1, v4;
	_ =	sdelay $0x3  }
0x14c: {  	s8 =	simm.s32 $0x15100;
	v3 =	vperm.xlane v3, v2  }
0x14d: {  	[hbm4b:s3+s2] =	stream.indirect_vreg.scatter [tilespmem:s8], [sflag:$0x1], $0x80, v4, vm0, $0xb8;
	[tilespmem:$0x18100] =	vst v63  }
0x14e: {  	s9 =	simm.s32 $0x15900;
	v3 =	vadd.s32 v1, v3  }
0x14f: {  	[hbm4b:s4+s2] =	stream.indirect_vreg.scatter [tilespmem:s9], [sflag:$0x1], $0x80, v4, vm0, $0xb8;
	[tilespmem:$0x18100] =	vst v63  }
0x150: {  	s10 =	simm.s32 $0x16100  }
0x151: {  	[hbm4b:s5+s2] =	stream.indirect_vreg.scatter [tilespmem:s10], [sflag:$0x1], $0x80, v4, vm0, $0xb8;
	[tilespmem:$0x18100] =	vst v63  }
0x152: {  	s8 =	simm.s32 $0x16900  }
0x153: {  	[hbm4b:s3+s2] =	stream.indirect_vreg.scatter [tilespmem:s8], [sflag:$0x1], $0x80, v3, vm0, $0xb8;
	[tilespmem:$0x18100] =	vst v63  }
0x154: {  	p0 =	sne.s32 s6, $0x1;
	s9 =	simm.s32 $0x17100  }
0x155: {  	[hbm4b:s4+s2] =	stream.indirect_vreg.scatter [tilespmem:s9], [sflag:$0x1], $0x80, v3, vm0, $0xb8;
	[tilespmem:$0x18100] =	vst v63  }
.Ltmp0:
0x156: {  	s10 =	simm.s32 $0x17900;
	(pc) =	sbr.rel @p0 .LBB2_1-.Ltmp0, $4  }
0x157: {  	[hbm4b:s5+s2] =	stream.indirect_vreg.scatter [tilespmem:s10], [sflag:$0x1], $0x80, v3, vm0, $0xb8;
	[tilespmem:$0x18100] =	vst v63  }
0x158: {  	_ =	swait.ge [sflag:s1], $0x18000  }
0x159: {  	[sflag:s1] =	ssyncset.done $0x0  }
0x15a: {  	s6 =	sadd.s32 $0xFFFFFFFF, s6;
	[sflag:s1] =	ssyncadd.s32 $0xFFFE8000  }
0x15b: {  	_ =	sfence.sel $0x180000  }
0x15c: {  	[bflag:$0x0] =	sbarrier.arrive $0xFFFF  }
0x15d: {  	_ =	strace $0x90000047  }
0x15e: {  	s0 =	stileid.u32;
	[bflag:$0x2] =	sbarrier.arrive $0xFFFF  }
0x15f: {  	p0 =	sne.s32 s0, $0x0;
	s0 =	rddreg [dreg:$0x2]  }
0x160: {  	s0 =	sadd.s32 @!p0 $0x100000, s0  }
0x161: {  	[sflag:s0] =	ssyncadd.tile.s32 @!p0 $0x1;
	_ =	shalt  }
.Lfunc_end2:
_tile_overlayer_lowered:
.L_overlay_start_2:
0x162: {  	(tag) =	ssettag $0x2  }
0x163: {  	s0 =	rddreg [dreg:$0x0];
	s2 =	stileid.u32  }
0x164: {  	s1 =	rddreg [dreg:$0x1];
	p0 =	sne.s32 s2, $0x0  }
0x165: {  	s3 =	rddreg [dreg:$0x2];
	[bflag:$0x3] =	sbarrier.arrive $0xFFFF;
	s2 =	simm.s32 @!p0 $0x1C02  }
0x166: {  	[timem:s3], [sflag:s2] =	dma.local @!p0 [hbm:s0], s1  }
0x167: {  	s0 =	simm.s32 @!p0 $0x2  }
0x168: {  	_ =	swait.ge @!p0 [sflag:s0], s1  }
0x169: {  	s1 =	ssub.s32 @!p0 $0x0, s1;
	[sflag:s0] =	ssyncset.done @!p0 $0x0  }
0x16a: {  	[sflag:s0] =	ssyncadd.s32 @!p0 s1  }
0x16b: {  	[bflag:$0x3] =	sbarrier.arrive $0xFFFF  }
0x16c: {  	_ =	shalt  }

// kernel: kernel.9.cloned.1.call-start
scs
__scs_entry_jumppad:
0x0: {  	(pc) =	sbr.rel $0x88, $3  }
0x1: {  	(tag) =	ssettag $0x0;
	lr =	simm.s32 $0x1  }
0x2: {  	[smem:$0x3F9D] =	sst lr;
	_ =	strace $0xD0000000  }
0x3: {  	_ = 	snop  }
0x4: {  	_ = 	snop  }
0x5: {  	_ = 	snop  }
0x6: {  	_ = 	snop  }
0x7: {  	_ = 	snop  }
__scs_overlays_trampoline_lowered:
0x8: {  	[smem:$0x3FAC] =	sst s0  }
0x9: {  	[smem:$0x3FAD] =	sst s1  }
0xa: {  	[smem:$0x3FAE] =	sst s2  }
0xb: {  	[smem:$0x3FAF] =	sst s3  }
0xc: {  	[smem:$0x3FB0] =	sst s4  }
0xd: {  	[smem:$0x3FB1] =	sst s5  }
0xe: {  	[smem:$0x3FB2] =	sst s6  }
0xf: {  	[smem:$0x3FB3] =	sst s7  }
0x10: {  	[smem:$0x3FB4] =	sst s8  }
0x11: {  	[smem:$0x3FB5] =	sst s9;
	s0 =	simm.s32 @!p0 $0x0  }
0x12: {  	s1 =	sld [smem:$0x3F9B];
	s0 =	simm.s32 @p0 $0x1  }
0x13: {  	[smem:$0x3FB6] =	sst s0;
	s0 =	simm.s32 @!p1 $0x0  }
0x14: {  	s2 =	sld [smem:$0x3F9A];
	s0 =	simm.s32 @p1 $0x1  }
0x15: {  	[smem:$0x3FB7] =	sst s0;
	s0 =	simm.s32 @!p2 $0x0  }
0x16: {  	s3 =	sld [smem:$0x3FDB];
	s0 =	simm.s32 @p2 $0x1  }
0x17: {  	s4 =	simm.s32 $0x1BF5;
	[smem:$0x3FB9] =	sst s0  }
0x18: {  	s0 =	sld [smem:$0x3F9C];
	_ =	swait.ge [sflag:s4], $0x0  }
0x19: {  	s7 =	sld [smem:$0x3F9D]  }
0x1a: {  	s8 =	sadd.s32 $0xFFFFE003, lr  }
0x1b: {  	s9 =	sadd.s32 $0xFFFFFEF7, lr;
	s5 =	simm.s32 $0xFFFFFFFF;
	p2 =	slt.u32 s8, $0xFFFFF086  }
0x1c: {  	p1 =	slt.u32 s9, $0xF7A;
	s5 =	simm.s32 @!p2 $0x0  }
0x1d: {  	s5 =	simm.s32 @p1 $0x1;
	p0 =	seq.s32 s7, s2  }
0x1e: {  	s7 =	smul.u32 @!p0 $0xF7A, s2;
	p2 =	seq.s32 @!p0 s5, $0x0  }
0x1f: {  	s9 =	smul.u32 $0xF7A, s1;
	s8 =	simm.s32 @!p0 $0x1BF5;
	p2 =	por !p2, p0  }
0x20: {  	[sflag:s8] =	ssyncset.s32 @!p0 $0xFFFFF086;
	s6 =	sadd.s32 @!p0 s3, s7;
	s7 =	simm.s32 @!p0 $0x108  }
0x21: {  	s3 =	sadd.s32 s3, s9;
	s6 =	sadd.s32 @!p0 $0x88, s6;
	s7 =	simm.s32 @p2 $0x1082  }
0x22: {  	[simem:s7], [sflag:s8] =	dma.local @!p0 [hbm:s6], $0xF7A  }
0x23: {  	s9 =	sor.u32 $0xD0000000, s2;
	s6 =	simm.s32 $0x108;
	_ =	swait.ge @!p0 [sflag:s8], $0x0  }
0x24: {  	s3 =	sadd.s32 $0x88, s3;
	s6 =	simm.s32 @!p1 $0x1082;
	[sflag:s4] =	ssyncset.s32 $0xFFFFF086  }
0x25: {  	[simem:s6], [sflag:s4] =	dma.local [hbm:s3], $0xF7A  }
0x26: {  	[smem:$0x3F9D] =	sst s1;
	(tag) =	ssettag s2;
	_ =	strace s9  }
0x27: {  	s1 =	sld [smem:$0x3FAD]  }
0x28: {  	s2 =	sld [smem:$0x3FAE]  }
0x29: {  	s4 =	sld [smem:$0x3FB0]  }
0x2a: {  	p0 =	seq.s32 s5, $0x0;
	s5 =	sld [smem:$0x3FB1]  }
0x2b: {  	s6 =	sld [smem:$0x3FB2]  }
0x2c: {  	s7 =	sld [smem:$0x3FB3]  }
0x2d: {  	s3 =	simm.s32 $0x108;
	s8 =	sld [smem:$0x3FB4]  }
0x2e: {  	s3 =	simm.s32 @!p0 $0x1082;
	s9 =	sld [smem:$0x3FB5]  }
0x2f: {  	lr =	sadd.s32 s0, s3;
	s0 =	sld [smem:$0x3FAC]  }
0x30: {  	s3 =	sld [smem:$0x3FAF]  }
0x31: {  	[smem:$0x3FB8] =	sst s10  }
0x32: {  	s10 =	sld [smem:$0x3FB6];
	_ =	sdelay $0x3  }
0x33: {  	p0 =	seq.s32 s10, $0x1;
	s10 =	sld [smem:$0x3FB8];
	_ =	sdelay $0x3  }
0x34: {  	[smem:$0x3FB8] =	sst s10  }
0x35: {  	s10 =	sld [smem:$0x3FB7];
	_ =	sdelay $0x3  }
0x36: {  	p1 =	seq.s32 s10, $0x1;
	s10 =	sld [smem:$0x3FB8];
	_ =	sdelay $0x3  }
0x37: {  	[smem:$0x3FB8] =	sst s10  }
0x38: {  	s10 =	sld [smem:$0x3FB9]  }
0x39: {  	_ = 	snop;
	(pc) =	sbr.ind lr, $3  }
0x3a: {  	_ = 	snop  }
0x3b: {  	_ = 	snop  }
0x3c: {  	p2 =	seq.s32 s10, $0x1;
	s10 =	sld [smem:$0x3FB8]  }
0x3d: {  	_ =	shalt  }
0x3e: {  	_ =	shalt  }
0x3f: {  	_ =	shalt  }
0x40: {  	_ =	shalt  }
0x41: {  	_ =	shalt  }
0x42: {  	_ =	shalt  }
0x43: {  	_ =	shalt  }
0x44: {  	_ =	shalt  }
0x45: {  	_ =	shalt  }
0x46: {  	_ =	shalt  }
0x47: {  	_ =	shalt  }
0x48: {  	_ =	shalt  }
0x49: {  	_ =	shalt  }
0x4a: {  	_ =	shalt  }
0x4b: {  	_ =	shalt  }
0x4c: {  	_ =	shalt  }
0x4d: {  	_ =	shalt  }
0x4e: {  	_ =	shalt  }
0x4f: {  	_ =	shalt  }
0x50: {  	_ =	shalt  }
0x51: {  	_ =	shalt  }
0x52: {  	_ =	shalt  }
0x53: {  	_ =	shalt  }
0x54: {  	_ =	shalt  }
0x55: {  	_ =	shalt  }
0x56: {  	_ =	shalt  }
0x57: {  	_ =	shalt  }
0x58: {  	_ =	shalt  }
0x59: {  	_ =	shalt  }
0x5a: {  	_ =	shalt  }
0x5b: {  	_ =	shalt  }
0x5c: {  	_ =	shalt  }
0x5d: {  	_ =	shalt  }
0x5e: {  	_ =	shalt  }
0x5f: {  	_ =	shalt  }
0x60: {  	_ =	shalt  }
0x61: {  	_ =	shalt  }
0x62: {  	_ =	shalt  }
0x63: {  	_ =	shalt  }
0x64: {  	_ =	shalt  }
0x65: {  	_ =	shalt  }
0x66: {  	_ =	shalt  }
0x67: {  	_ =	shalt  }
0x68: {  	_ =	shalt  }
0x69: {  	_ =	shalt  }
0x6a: {  	_ =	shalt  }
0x6b: {  	_ =	shalt  }
0x6c: {  	_ =	shalt  }
0x6d: {  	_ =	shalt  }
0x6e: {  	_ =	shalt  }
0x6f: {  	_ =	shalt  }
0x70: {  	_ =	shalt  }
0x71: {  	_ =	shalt  }
0x72: {  	_ =	shalt  }
0x73: {  	_ =	shalt  }
0x74: {  	_ =	shalt  }
0x75: {  	_ =	shalt  }
0x76: {  	_ =	shalt  }
0x77: {  	_ =	shalt  }
0x78: {  	_ =	shalt  }
0x79: {  	_ =	shalt  }
0x7a: {  	_ =	shalt  }
0x7b: {  	_ =	shalt  }
0x7c: {  	_ =	shalt  }
0x7d: {  	_ =	shalt  }
0x7e: {  	_ =	shalt  }
0x7f: {  	_ =	shalt  }
0x80: {  	_ =	shalt  }
0x81: {  	_ =	shalt  }
0x82: {  	_ =	shalt  }
0x83: {  	_ =	shalt  }
0x84: {  	_ =	shalt  }
0x85: {  	_ =	shalt  }
0x86: {  	_ =	shalt  }
0x87: {  	_ =	shalt  }
.Lfunc_end0:
.L_simem_size_0:
called_computation.1_lowered:
.L_overlay_start_0:
0x88: {  	s2 =	sld [smem:$0x3FD9]  }
0x89: {  	s3 =	sld [smem:$0x3FFE];
	_ =	sdelay $0x1  }
0x8a: {  	s1 =	srdreg.scid  }
0x8b: {  	s0 =	sand.u32 $0x1, s1  }
0x8c: {  	s17 =	sshll.u32 s0, $0xA;
	s2 =	sadd.s32 s3, s2  }
0x8d: {  	s2 =	sadd.s32 s2, s17  }
0x8e: {  	[smem:$0x3FC4] =	sst s2  }
0x8f: {  	_ = 	snop  }
0x90: {  	s2 =	sld [smem:$0x3FD0];
	(tm) =	ssettm $0x1  }
0x91: {  	s18 =	sld [smem:$0x3FFB];
	_ =	sdelay $0x3  }
0x92: {  	_ =	strace s18  }
0x93: {  	s3 =	sld [smem:$0x3FFC];
	_ =	sdelay $0x3  }
0x94: {  	_ =	strace s3  }
0x95: {  	s3 =	sld [smem:$0x3FFD];
	_ =	sdelay $0x3  }
0x96: {  	_ =	strace s3  }
0x97: {  	_ =	strace $0x8FFFFFFF  }
0x98: {  	s19 =	sld [smem:$0x3FDB];
	_ =	sdelay $0x1  }
0x99: {  	s4 =	simm.s32 $_scs_section_size  }
0x9a: {  	s5 =	simm.s32 $_size__tile_overlayer_lowered;
	s6 =	simm.s32 $_tile_overlayer_lowered  }
0x9b: {  	s22 =	simm.s32 $0x1BFF;
	s21 =	sshll.u32 s6, $0x1;
	s3 =	sadd.s32 s4, s19  }
0x9c: {  	s7 =	simm.s32 $0x0;
	s20 =	sshll.u32 s5, $0x1;
	s5 =	sadd.s32 s21, s3  }
0x9d: {  	[timem:s7], [sflag:s22] =	dma.local [hbm:s5], s20  }
0x9e: {  	_ =	swait.ge [sflag:s22], s20  }
0x9f: {  	s4 =	ssub.s32 $0x0, s20;
	[sflag:s22] =	ssyncset.done $0x0  }
0xa0: {  	[sflag:s22] =	ssyncadd.s32 s4;
	_ =	sdelay $0x1  }
0xa1: {  	s23 =	simm.s32 $0x1B8B  }
0xa2: {  	_ =	swait.ge [sflag:s23], $0x1  }
0xa3: {  	[sflag:s23] =	ssyncset.done $0x0  }
0xa4: {  	s25 =	simm.s32 $0x1B8E;
	s24 =	sld [smem:$0x3FFE];
	[sflag:s23] =	ssyncadd.s32 $0xFFFFFFFF  }
0xa5: {  	s26 =	simm.s32 $execute0_lowered;
	[smem:$0x3FD2] =	sst s25  }
0xa6: {  	s5 =	sshll.u32 s26, $0x1;
	_ =	strace $0x80000049;
	[dreg:$0x1] =	wrdreg $0xFFFFFFFF  }
0xa7: {  	s28 =	simm.s32 $_size_execute0_lowered;
	s3 =	sadd.s32 s3, s5;
	[dreg:$0x0] =	wrdreg $0x0  }
0xa8: {  	s5 =	sshll.u32 s28, $0x1;
	[dreg:$0x2] =	wrdreg s3  }
0xa9: {  	[dreg:$0x3] =	wrdreg s5  }
0xaa: {  	[dreg:$0x4] =	wrdreg $0xC0  }
0xab: {  	_ =	task [dreg:s7], $0x5FFFF  }
0xac: {  	[dreg:$0x1] =	wrdreg $0xFFFFFFFF  }
0xad: {  	[dreg:$0x0] =	wrdreg $0x60  }
0xae: {  	[dreg:$0x2] =	wrdreg s24  }
0xaf: {  	[dreg:$0x3] =	wrdreg s2  }
0xb0: {  	[dreg:$0x4] =	wrdreg $0x9  }
0xb1: {  	_ =	task.clear_ibuf [dreg:s7], $0x5FFFF;
	_ =	strace $0x90000049  }
0xb2: {  	s29 =	simm.s32 $0x9;
	_ =	strace $0x8000004B  }
0xb3: {  	_ =	swait.ge [sflag:s29], $0x1  }
0xb4: {  	[sflag:s29] =	ssyncadd.s32 $0xFFFFFFFF  }
0xb5: {  	_ =	strace $0x9000004B  }
0xb6: {  	_ =	sfence  }
0xb7: {  	s30 =	sld [smem:$0x0];
	_ =	sdelay $0x2  }
0xb8: {  	s31 =	sshll.u32 s1, $0xD;
	s1 =	sshrl.u32 s1, $0x2  }
0xb9: {  	s3 =	sand.u32 $0x4000, s31;
	s1 =	sadd.s32 s1, s30  }
0xba: {  	s0 =	sor.u32 s3, s0;
	s1 =	sshll.u32 s1, $0x11  }
0xbb: {  	s0 =	sor.u32 s1, s0  }
0xbc: {  	s0 =	sadd.s32 $0x8F2B, s0  }
0xbd: {  	[sflag:s0] =	ssyncadd.remote.s32 $0x1  }
0xbe: {  	_ =	sfence.sel $0xFFFF  }
0xbf: {  	[dreg:$0x0] =	wrdreg $0xFFFFFFFF;
	(pc) =	sbr.abs _section_cstart, $3  }
0xc0: {  	[dreg:$0x1] =	wrdreg $0xFFFFFFFF  }
0xc1: {  	_ =	task.clear_ibuf [dreg:s7], $0x2FFFF;
	_ =	strace $0x9FFFFFFF  }
0xc2: {  	(tm) =	ssettm $0x7FFFFFFF  }
0xc3: {  	_ =	shalt  }
tec
execute0_lowered:
.L_overlay_start_1:
0x0: {  	(tag) =	ssettag $0x1  }
0x1: {  	s0 =	rddreg [dreg:$0x0]  }
0x2: {  	s1 =	rddreg [dreg:$0x1];
	s2 =	simm.s32 $0x0;
	s3 =	srdreg.scid  }
0x3: {  	s5 =	stileid.u32;
	s26 =	simm.s32 $0x80;
	s11 =	simm.s32 $0x900  }
0x4: {  	s12 =	simm.s32 $0x1100;
	s13 =	simm.s32 $0x1900;
	s14 =	simm.s32 $0x2100  }
0x5: {  	s15 =	simm.s32 $0x2900;
	s16 =	simm.s32 $0x3100;
	s17 =	simm.s32 $0x3900  }
0x6: {  	s18 =	simm.s32 $0x4100;
	s19 =	simm.s32 $0x4900;
	s20 =	simm.s32 $0x5100  }
0x7: {  	s21 =	simm.s32 $0x5900;
	s22 =	simm.s32 $0x6100;
	s28 =	simm.s32 $0x8900  }
0x8: {  	s29 =	simm.s32 $0x9100;
	s30 =	simm.s32 $0x9900;
	s31 =	simm.s32 $0xA100  }
0x9: {  	[smem:$0x7FF] =	sst s2;
	s4 =	sand.u32 $0x1, s3;
	s5 =	sshll.u32 s5, $0x6  }
0xa: {  	s3 =	sadd.s32 $0xC1000, s0;
	s23 =	sadd.s32 $0xC00, s0;
	_ =	strace $0x8000004A  }
0xb: {  	s6 =	sshll.u32 s4, $0x5;
	s4 =	ssub.s32 $0x2, s4;
	[dreg:$0x7] =	wrdreg s26  }
0xc: {  	s26 =	simm.s32 $0x8100;
	s5 =	sor.u32 s6, s5;
	s7 =	sshrl.u32 s4, $0x1  }
0xd: {  	s8 =	smul.u32 $0x300, s5;
	s7 =	ssub.s32 s4, s7;
	s24 =	sadd.s32 s23, s5  }
0xe: {  	s5 =	sor.u32 $0x10, s5;
	s4 =	sadd.s32 $0xC1100, s0;
	[dreg:$0x3] =	wrdreg s24  }
0xf: {  	s9 =	smul.u32 $0x300, s5;
	s6 =	sadd.s32 s23, s5;
	s5 =	sadd.s32 $0xC1200, s0  }
0x10: {  	s23 =	simm.s32 $0x6900;
	s24 =	simm.s32 $0x7100;
	s8 =	sadd.s32 s1, s8  }
0x11: {  	v2 =	vlaneseq.u32;
	[dreg:$0x5] =	wrdreg s6;
	s6 =	smax.u32 s7, $0x1;
	s7 =	simm.s32 $0x2  }
0x12: {  	vm0 =	vmmov $0xffff;
	v1 =	vshrl.u32 v2, $0x3;
	[dreg:$0x4] =	wrdreg s8;
	s25 =	sadd.s32 s1, s9;
	s1 =	simm.s32 $0x1  }
0x13: {  	v0 =	vand.u32 $0x7, v2;
	v2 =	vor.u32 $0x8, v2;
	v1 =	vmul.u32 $0x8, v1;
	s8 =	simm.s32 $0xB100;
	[dreg:$0x6] =	wrdreg s25;
	s25 =	simm.s32 $0x7900  }
.LBB2_1:
0x14: {  	s9 =	rddreg [dreg:$0x3]  }
0x15: {  	[tilespmem:s2], [sflag:$0x2] =	stream.linear.gather [hbm4b:s9+s2], $0x80, $0x38;
	[tilespmem:$0x18100] =	vst v63  }
0x16: {  	_ =	swait.ge [sflag:s7], $0x80  }
0x17: {  	[sflag:s7] =	ssyncset.done $0x0  }
0x18: {  	[sflag:s7] =	ssyncadd.s32 $0xFFFFFF80  }
0x19: {  	v3 =	vld [tilespmem:$0x0];
	_ =	sdelay $0x4  }
0x1a: {  	v4 =	vshrl.u32 v3, $0x3  }
0x1b: {  	v4 =	vmul.u32 $0x30, v4  }
0x1c: {  	v3 =	vand.u32 $0x7, v3  }
0x1d: {  	v3 =	vor.u32 v3, v4  }
0x1e: {  	v4 =	vperm.xlane v3, v0;
	_ =	sdelay $0x1  }
0x1f: {  	v4 =	vadd.s32 v1, v4;
	_ =	sdelay $0x3  }
0x20: {  	s0 =	simm.s32 $0x100;
	v3 =	vperm.xlane v3, v2  }
0x21: {  	[tilespmem:s0], [sflag:$0x1] =	stream.indirect_vreg.gather [hbm4b:s3+s2], $0x80, v4, vm0, $0xb8;
	[tilespmem:$0x18100] =	vst v63  }
0x22: {  	v3 =	vadd.s32 v1, v3  }
0x23: {  	[tilespmem:s11], [sflag:$0x1] =	stream.indirect_vreg.gather [hbm4b:s4+s2], $0x80, v4, vm0, $0xb8;
	[tilespmem:$0x18100] =	vst v63  }
0x24: {  	_ = 	snop  }
0x25: {  	[tilespmem:s12], [sflag:$0x1] =	stream.indirect_vreg.gather [hbm4b:s5+s2], $0x80, v4, vm0, $0xb8;
	[tilespmem:$0x18100] =	vst v63  }
0x26: {  	_ = 	snop  }
0x27: {  	[tilespmem:s13], [sflag:$0x1] =	stream.indirect_vreg.gather [hbm4b:s3+s2], $0x80, v3, vm0, $0xb8;
	[tilespmem:$0x18100] =	vst v63  }
0x28: {  	_ = 	snop  }
0x29: {  	[tilespmem:s14], [sflag:$0x1] =	stream.indirect_vreg.gather [hbm4b:s4+s2], $0x80, v3, vm0, $0xb8;
	[tilespmem:$0x18100] =	vst v63  }
0x2a: {  	_ = 	snop  }
0x2b: {  	[tilespmem:s15], [sflag:$0x1] =	stream.indirect_vreg.gather [hbm4b:s5+s2], $0x80, v3, vm0, $0xb8;
	[tilespmem:$0x18100] =	vst v63  }
0x2c: {  	v3 =	vld [tilespmem:$0x10];
	_ =	sdelay $0x4  }
0x2d: {  	v49 =	vshrl.u32 v3, $0x3  }
0x2e: {  	v4 =	vmul.u32 $0x30, v49  }
0x2f: {  	v3 =	vand.u32 $0x7, v3  }
0x30: {  	v3 =	vor.u32 v3, v4  }
0x31: {  	v4 =	vperm.xlane v3, v0;
	_ =	sdelay $0x1  }
0x32: {  	v4 =	vadd.s32 v1, v4;
	_ =	sdelay $0x3  }
0x33: {  	v3 =	vperm.xlane v3, v2  }
0x34: {  	[tilespmem:s16], [sflag:$0x1] =	stream.indirect_vreg.gather [hbm4b:s3+s2], $0x80, v4, vm0, $0xb8;
	[tilespmem:$0x18100] =	vst v63  }
0x35: {  	v3 =	vadd.s32 v1, v3  }
0x36: {  	[tilespmem:s17], [sflag:$0x1] =	stream.indirect_vreg.gather [hbm4b:s4+s2], $0x80, v4, vm0, $0xb8;
	[tilespmem:$0x18100] =	vst v63  }
0x37: {  	_ = 	snop  }
0x38: {  	[tilespmem:s18], [sflag:$0x1] =	stream.indirect_vreg.gather [hbm4b:s5+s2], $0x80, v4, vm0, $0xb8;
	[tilespmem:$0x18100] =	vst v63  }
0x39: {  	_ = 	snop  }
0x3a: {  	[tilespmem:s19], [sflag:$0x1] =	stream.indirect_vreg.gather [hbm4b:s3+s2], $0x80, v3, vm0, $0xb8;
	[tilespmem:$0x18100] =	vst v63  }
0x3b: {  	_ = 	snop  }
0x3c: {  	[tilespmem:s20], [sflag:$0x1] =	stream.indirect_vreg.gather [hbm4b:s4+s2], $0x80, v3, vm0, $0xb8;
	[tilespmem:$0x18100] =	vst v63  }
0x3d: {  	_ = 	snop  }
0x3e: {  	[tilespmem:s21], [sflag:$0x1] =	stream.indirect_vreg.gather [hbm4b:s5+s2], $0x80, v3, vm0, $0xb8;
	[tilespmem:$0x18100] =	vst v63  }
0x3f: {  	v3 =	vld [tilespmem:$0x20];
	_ =	sdelay $0x4  }
0x40: {  	v50 =	vshrl.u32 v3, $0x3  }
0x41: {  	v4 =	vmul.u32 $0x30, v50  }
0x42: {  	v3 =	vand.u32 $0x7, v3  }
0x43: {  	v3 =	vor.u32 v3, v4  }
0x44: {  	v4 =	vperm.xlane v3, v0;
	_ =	sdelay $0x1  }
0x45: {  	v4 =	vadd.s32 v1, v4;
	_ =	sdelay $0x3  }
0x46: {  	v3 =	vperm.xlane v3, v2  }
0x47: {  	[tilespmem:s22], [sflag:$0x1] =	stream.indirect_vreg.gather [hbm4b:s3+s2], $0x80, v4, vm0, $0xb8;
	[tilespmem:$0x18100] =	vst v63  }
0x48: {  	v3 =	vadd.s32 v1, v3  }
0x49: {  	[tilespmem:s23], [sflag:$0x1] =	stream.indirect_vreg.gather [hbm4b:s4+s2], $0x80, v4, vm0, $0xb8;
	[tilespmem:$0x18100] =	vst v63  }
0x4a: {  	_ = 	snop  }
0x4b: {  	[tilespmem:s24], [sflag:$0x1] =	stream.indirect_vreg.gather [hbm4b:s5+s2], $0x80, v4, vm0, $0xb8;
	[tilespmem:$0x18100] =	vst v63  }
0x4c: {  	_ = 	snop  }
0x4d: {  	[tilespmem:s25], [sflag:$0x1] =	stream.indirect_vreg.gather [hbm4b:s3+s2], $0x80, v3, vm0, $0xb8;
	[tilespmem:$0x18100] =	vst v63  }
0x4e: {  	_ = 	snop  }
0x4f: {  	[tilespmem:s26], [sflag:$0x1] =	stream.indirect_vreg.gather [hbm4b:s4+s2], $0x80, v3, vm0, $0xb8;
	[tilespmem:$0x18100] =	vst v63  }
0x50: {  	_ = 	snop  }
0x51: {  	[tilespmem:s28], [sflag:$0x1] =	stream.indirect_vreg.gather [hbm4b:s5+s2], $0x80, v3, vm0, $0xb8;
	[tilespmem:$0x18100] =	vst v63  }
0x52: {  	v3 =	vld [tilespmem:$0x30];
	_ =	sdelay $0x4  }
0x53: {  	v51 =	vshrl.u32 v3, $0x3  }
0x54: {  	v4 =	vmul.u32 $0x30, v51  }
0x55: {  	v3 =	vand.u32 $0x7, v3  }
0x56: {  	v3 =	vor.u32 v3, v4  }
0x57: {  	v4 =	vperm.xlane v3, v0;
	_ =	sdelay $0x1  }
0x58: {  	v4 =	vadd.s32 v1, v4;
	_ =	sdelay $0x3  }
0x59: {  	v3 =	vperm.xlane v3, v2  }
0x5a: {  	[tilespmem:s29], [sflag:$0x1] =	stream.indirect_vreg.gather [hbm4b:s3+s2], $0x80, v4, vm0, $0xb8;
	[tilespmem:$0x18100] =	vst v63  }
0x5b: {  	v3 =	vadd.s32 v1, v3  }
0x5c: {  	[tilespmem:s30], [sflag:$0x1] =	stream.indirect_vreg.gather [hbm4b:s4+s2], $0x80, v4, vm0, $0xb8;
	[tilespmem:$0x18100] =	vst v63  }
0x5d: {  	_ = 	snop  }
0x5e: {  	[tilespmem:s31], [sflag:$0x1] =	stream.indirect_vreg.gather [hbm4b:s5+s2], $0x80, v4, vm0, $0xb8;
	[tilespmem:$0x18100] =	vst v63  }
0x5f: {  	s0 =	simm.s32 $0xA900  }
0x60: {  	[tilespmem:s0], [sflag:$0x1] =	stream.indirect_vreg.gather [hbm4b:s3+s2], $0x80, v3, vm0, $0xb8;
	[tilespmem:$0x18100] =	vst v63  }
0x61: {  	_ = 	snop  }
0x62: {  	[tilespmem:s8], [sflag:$0x1] =	stream.indirect_vreg.gather [hbm4b:s4+s2], $0x80, v3, vm0, $0xb8;
	[tilespmem:$0x18100] =	vst v63  }
0x63: {  	s9 =	simm.s32 $0xB900  }
0x64: {  	[tilespmem:s9], [sflag:$0x1] =	stream.indirect_vreg.gather [hbm4b:s5+s2], $0x80, v3, vm0, $0xb8;
	[tilespmem:$0x18100] =	vst v63  }
0x65: {  	v3 =	vld [tilespmem:$0x40];
	_ =	sdelay $0x4  }
0x66: {  	v52 =	vshrl.u32 v3, $0x3  }
0x67: {  	v4 =	vmul.u32 $0x30, v52  }
0x68: {  	v3 =	vand.u32 $0x7, v3  }
0x69: {  	v3 =	vor.u32 v3, v4  }
0x6a: {  	v4 =	vperm.xlane v3, v0;
	_ =	sdelay $0x1  }
0x6b: {  	v4 =	vadd.s32 v1, v4;
	_ =	sdelay $0x3  }
0x6c: {  	s9 =	simm.s32 $0xC100;
	v3 =	vperm.xlane v3, v2  }
0x6d: {  	[tilespmem:s9], [sflag:$0x1] =	stream.indirect_vreg.gather [hbm4b:s3+s2], $0x80, v4, vm0, $0xb8;
	[tilespmem:$0x18100] =	vst v63  }
0x6e: {  	v3 =	vadd.s32 v1, v3;
	s9 =	simm.s32 $0xC900  }
0x6f: {  	[tilespmem:s9], [sflag:$0x1] =	stream.indirect_vreg.gather [hbm4b:s4+s2], $0x80, v4, vm0, $0xb8;
	[tilespmem:$0x18100] =	vst v63  }
0x70: {  	s9 =	simm.s32 $0xD100  }
0x71: {  	[tilespmem:s9], [sflag:$0x1] =	stream.indirect_vreg.gather [hbm4b:s5+s2], $0x80, v4, vm0, $0xb8;
	[tilespmem:$0x18100] =	vst v63  }
0x72: {  	s9 =	simm.s32 $0xD900  }
0x73: {  	[tilespmem:s9], [sflag:$0x1] =	stream.indirect_vreg.gather [hbm4b:s3+s2], $0x80, v3, vm0, $0xb8;
	[tilespmem:$0x18100] =	vst v63  }
0x74: {  	s9 =	simm.s32 $0xE100  }
0x75: {  	[tilespmem:s9], [sflag:$0x1] =	stream.indirect_vreg.gather [hbm4b:s4+s2], $0x80, v3, vm0, $0xb8;
	[tilespmem:$0x18100] =	vst v63  }
0x76: {  	s9 =	simm.s32 $0xE900  }
0x77: {  	[tilespmem:s9], [sflag:$0x1] =	stream.indirect_vreg.gather [hbm4b:s5+s2], $0x80, v3, vm0, $0xb8;
	[tilespmem:$0x18100] =	vst v63  }
0x78: {  	v3 =	vld [tilespmem:$0x50];
	_ =	sdelay $0x4  }
0x79: {  	v53 =	vshrl.u32 v3, $0x3  }
0x7a: {  	v4 =	vmul.u32 $0x30, v53  }
0x7b: {  	v3 =	vand.u32 $0x7, v3  }
0x7c: {  	v3 =	vor.u32 v3, v4  }
0x7d: {  	v4 =	vperm.xlane v3, v0;
	_ =	sdelay $0x1  }
0x7e: {  	v4 =	vadd.s32 v1, v4;
	_ =	sdelay $0x3  }
0x7f: {  	s9 =	simm.s32 $0xF100;
	v3 =	vperm.xlane v3, v2  }
0x80: {  	[tilespmem:s9], [sflag:$0x1] =	stream.indirect_vreg.gather [hbm4b:s3+s2], $0x80, v4, vm0, $0xb8;
	[tilespmem:$0x18100] =	vst v63  }
0x81: {  	v3 =	vadd.s32 v1, v3;
	s9 =	simm.s32 $0xF900  }
0x82: {  	[tilespmem:s9], [sflag:$0x1] =	stream.indirect_vreg.gather [hbm4b:s4+s2], $0x80, v4, vm0, $0xb8;
	[tilespmem:$0x18100] =	vst v63  }
0x83: {  	s9 =	simm.s32 $0x10100  }
0x84: {  	[tilespmem:s9], [sflag:$0x1] =	stream.indirect_vreg.gather [hbm4b:s5+s2], $0x80, v4, vm0, $0xb8;
	[tilespmem:$0x18100] =	vst v63  }
0x85: {  	s9 =	simm.s32 $0x10900  }
0x86: {  	[tilespmem:s9], [sflag:$0x1] =	stream.indirect_vreg.gather [hbm4b:s3+s2], $0x80, v3, vm0, $0xb8;
	[tilespmem:$0x18100] =	vst v63  }
0x87: {  	s9 =	simm.s32 $0x11100  }
0x88: {  	[tilespmem:s9], [sflag:$0x1] =	stream.indirect_vreg.gather [hbm4b:s4+s2], $0x80, v3, vm0, $0xb8;
	[tilespmem:$0x18100] =	vst v63  }
0x89: {  	s9 =	simm.s32 $0x11900  }
0x8a: {  	[tilespmem:s9], [sflag:$0x1] =	stream.indirect_vreg.gather [hbm4b:s5+s2], $0x80, v3, vm0, $0xb8;
	[tilespmem:$0x18100] =	vst v63  }
0x8b: {  	v3 =	vld [tilespmem:$0x60];
	_ =	sdelay $0x4  }
0x8c: {  	v54 =	vshrl.u32 v3, $0x3  }
0x8d: {  	v4 =	vmul.u32 $0x30, v54  }
0x8e: {  	v3 =	vand.u32 $0x7, v3  }
0x8f: {  	v3 =	vor.u32 v3, v4  }
0x90: {  	v4 =	vperm.xlane v3, v0;
	_ =	sdelay $0x1  }
0x91: {  	v4 =	vadd.s32 v1, v4;
	_ =	sdelay $0x3  }
0x92: {  	s9 =	simm.s32 $0x12100;
	v3 =	vperm.xlane v3, v2  }
0x93: {  	[tilespmem:s9], [sflag:$0x1] =	stream.indirect_vreg.gather [hbm4b:s3+s2], $0x80, v4, vm0, $0xb8;
	[tilespmem:$0x18100] =	vst v63  }
0x94: {  	v3 =	vadd.s32 v1, v3;
	s9 =	simm.s32 $0x12900  }
0x95: {  	[tilespmem:s9], [sflag:$0x1] =	stream.indirect_vreg.gather [hbm4b:s4+s2], $0x80, v4, vm0, $0xb8;
	[tilespmem:$0x18100] =	vst v63  }
0x96: {  	s9 =	simm.s32 $0x13100  }
0x97: {  	[tilespmem:s9], [sflag:$0x1] =	stream.indirect_vreg.gather [hbm4b:s5+s2], $0x80, v4, vm0, $0xb8;
	[tilespmem:$0x18100] =	vst v63  }
0x98: {  	s9 =	simm.s32 $0x13900  }
0x99: {  	[tilespmem:s9], [sflag:$0x1] =	stream.indirect_vreg.gather [hbm4b:s3+s2], $0x80, v3, vm0, $0xb8;
	[tilespmem:$0x18100] =	vst v63  }
0x9a: {  	s9 =	simm.s32 $0x14100  }
0x9b: {  	[tilespmem:s9], [sflag:$0x1] =	stream.indirect_vreg.gather [hbm4b:s4+s2], $0x80, v3, vm0, $0xb8;
	[tilespmem:$0x18100] =	vst v63  }
0x9c: {  	s9 =	simm.s32 $0x14900  }
0x9d: {  	[tilespmem:s9], [sflag:$0x1] =	stream.indirect_vreg.gather [hbm4b:s5+s2], $0x80, v3, vm0, $0xb8;
	[tilespmem:$0x18100] =	vst v63  }
0x9e: {  	v3 =	vld [tilespmem:$0x70];
	_ =	sdelay $0x4  }
0x9f: {  	v55 =	vshrl.u32 v3, $0x3  }
0xa0: {  	v4 =	vmul.u32 $0x30, v55  }
0xa1: {  	v3 =	vand.u32 $0x7, v3  }
0xa2: {  	v3 =	vor.u32 v3, v4  }
0xa3: {  	v4 =	vperm.xlane v3, v0;
	_ =	sdelay $0x1  }
0xa4: {  	v4 =	vadd.s32 v1, v4;
	_ =	sdelay $0x3  }
0xa5: {  	s9 =	simm.s32 $0x15100;
	v3 =	vperm.xlane v3, v2  }
0xa6: {  	[tilespmem:s9], [sflag:$0x1] =	stream.indirect_vreg.gather [hbm4b:s3+s2], $0x80, v4, vm0, $0xb8;
	[tilespmem:$0x18100] =	vst v63  }
0xa7: {  	v3 =	vadd.s32 v1, v3;
	s9 =	simm.s32 $0x15900  }
0xa8: {  	[tilespmem:s9], [sflag:$0x1] =	stream.indirect_vreg.gather [hbm4b:s4+s2], $0x80, v4, vm0, $0xb8;
	[tilespmem:$0x18100] =	vst v63  }
0xa9: {  	s9 =	simm.s32 $0x16100  }
0xaa: {  	[tilespmem:s9], [sflag:$0x1] =	stream.indirect_vreg.gather [hbm4b:s5+s2], $0x80, v4, vm0, $0xb8;
	[tilespmem:$0x18100] =	vst v63  }
0xab: {  	s9 =	simm.s32 $0x16900  }
0xac: {  	[tilespmem:s9], [sflag:$0x1] =	stream.indirect_vreg.gather [hbm4b:s3+s2], $0x80, v3, vm0, $0xb8;
	[tilespmem:$0x18100] =	vst v63  }
0xad: {  	s9 =	simm.s32 $0x17100  }
0xae: {  	[tilespmem:s9], [sflag:$0x1] =	stream.indirect_vreg.gather [hbm4b:s4+s2], $0x80, v3, vm0, $0xb8;
	[tilespmem:$0x18100] =	vst v63  }
0xaf: {  	s9 =	simm.s32 $0x17900  }
0xb0: {  	[tilespmem:s9], [sflag:$0x1] =	stream.indirect_vreg.gather [hbm4b:s5+s2], $0x80, v3, vm0, $0xb8;
	[tilespmem:$0x18100] =	vst v63  }
0xb1: {  	_ =	swait.ge [sflag:s1], $0x18000  }
0xb2: {  	[sflag:s1] =	ssyncset.done $0x0  }
0xb3: {  	s10 =	simm.s32 $0x100;
	s9 =	rddreg [dreg:$0x4];
	[sflag:s1] =	ssyncadd.s32 $0xFFFE8000  }
0xb4: {  	[hbm4b:s9+s2] =	stream.linear.scatter [tilespmem:s10], [sflag:$0x2], $0x18000, $0x38;
	[tilespmem:$0x18100] =	vst v63  }
0xb5: {  	_ =	swait.ge [sflag:s7], $0x18000  }
0xb6: {  	s9 =	rddreg [dreg:$0x5];
	[sflag:s7] =	ssyncset.done $0x0  }
0xb7: {  	s10 =	rddreg [dreg:$0x7];
	[sflag:s7] =	ssyncadd.s32 $0xFFFE8000  }
0xb8: {  	[tilespmem:s10], [sflag:$0x2] =	stream.linear.gather [hbm4b:s9+s2], $0x80, $0x38;
	[tilespmem:$0x18100] =	vst v63  }
0xb9: {  	_ =	swait.ge [sflag:s7], $0x80  }
0xba: {  	[sflag:s7] =	ssyncset.done $0x0  }
0xbb: {  	[sflag:s7] =	ssyncadd.s32 $0xFFFFFF80  }
0xbc: {  	v3 =	vld [tilespmem:$0x80];
	_ =	sdelay $0x4  }
0xbd: {  	v56 =	vshrl.u32 v3, $0x3  }
0xbe: {  	v4 =	vmul.u32 $0x30, v56  }
0xbf: {  	v3 =	vand.u32 $0x7, v3  }
0xc0: {  	v3 =	vor.u32 v3, v4  }
0xc1: {  	v4 =	vperm.xlane v3, v0;
	_ =	sdelay $0x1  }
0xc2: {  	v4 =	vadd.s32 v1, v4;
	_ =	sdelay $0x3  }
0xc3: {  	s10 =	simm.s32 $0x100;
	v3 =	vperm.xlane v3, v2  }
0xc4: {  	[tilespmem:s10], [sflag:$0x1] =	stream.indirect_vreg.gather [hbm4b:s3+s2], $0x80, v4, vm0, $0xb8;
	[tilespmem:$0x18100] =	vst v63  }
0xc5: {  	v3 =	vadd.s32 v1, v3  }
0xc6: {  	[tilespmem:s11], [sflag:$0x1] =	stream.indirect_vreg.gather [hbm4b:s4+s2], $0x80, v4, vm0, $0xb8;
	[tilespmem:$0x18100] =	vst v63  }
0xc7: {  	_ = 	snop  }
0xc8: {  	[tilespmem:s12], [sflag:$0x1] =	stream.indirect_vreg.gather [hbm4b:s5+s2], $0x80, v4, vm0, $0xb8;
	[tilespmem:$0x18100] =	vst v63  }
0xc9: {  	_ = 	snop  }
0xca: {  	[tilespmem:s13], [sflag:$0x1] =	stream.indirect_vreg.gather [hbm4b:s3+s2], $0x80, v3, vm0, $0xb8;
	[tilespmem:$0x18100] =	vst v63  }
0xcb: {  	_ = 	snop  }
0xcc: {  	[tilespmem:s14], [sflag:$0x1] =	stream.indirect_vreg.gather [hbm4b:s4+s2], $0x80, v3, vm0, $0xb8;
	[tilespmem:$0x18100] =	vst v63  }
0xcd: {  	_ = 	snop  }
0xce: {  	[tilespmem:s15], [sflag:$0x1] =	stream.indirect_vreg.gather [hbm4b:s5+s2], $0x80, v3, vm0, $0xb8;
	[tilespmem:$0x18100] =	vst v63  }
0xcf: {  	v3 =	vld [tilespmem:$0x90];
	_ =	sdelay $0x4  }
0xd0: {  	v57 =	vshrl.u32 v3, $0x3  }
0xd1: {  	v4 =	vmul.u32 $0x30, v57  }
0xd2: {  	v3 =	vand.u32 $0x7, v3  }
0xd3: {  	v3 =	vor.u32 v3, v4  }
0xd4: {  	v4 =	vperm.xlane v3, v0;
	_ =	sdelay $0x1  }
0xd5: {  	v4 =	vadd.s32 v1, v4;
	_ =	sdelay $0x3  }
0xd6: {  	v3 =	vperm.xlane v3, v2  }
0xd7: {  	[tilespmem:s16], [sflag:$0x1] =	stream.indirect_vreg.gather [hbm4b:s3+s2], $0x80, v4, vm0, $0xb8;
	[tilespmem:$0x18100] =	vst v63  }
0xd8: {  	v3 =	vadd.s32 v1, v3  }
0xd9: {  	[tilespmem:s17], [sflag:$0x1] =	stream.indirect_vreg.gather [hbm4b:s4+s2], $0x80, v4, vm0, $0xb8;
	[tilespmem:$0x18100] =	vst v63  }
0xda: {  	_ = 	snop  }
0xdb: {  	[tilespmem:s18], [sflag:$0x1] =	stream.indirect_vreg.gather [hbm4b:s5+s2], $0x80, v4, vm0, $0xb8;
	[tilespmem:$0x18100] =	vst v63  }
0xdc: {  	_ = 	snop  }
0xdd: {  	[tilespmem:s19], [sflag:$0x1] =	stream.indirect_vreg.gather [hbm4b:s3+s2], $0x80, v3, vm0, $0xb8;
	[tilespmem:$0x18100] =	vst v63  }
0xde: {  	_ = 	snop  }
0xdf: {  	[tilespmem:s20], [sflag:$0x1] =	stream.indirect_vreg.gather [hbm4b:s4+s2], $0x80, v3, vm0, $0xb8;
	[tilespmem:$0x18100] =	vst v63  }
0xe0: {  	_ = 	snop  }
0xe1: {  	[tilespmem:s21], [sflag:$0x1] =	stream.indirect_vreg.gather [hbm4b:s5+s2], $0x80, v3, vm0, $0xb8;
	[tilespmem:$0x18100] =	vst v63  }
0xe2: {  	v3 =	vld [tilespmem:$0xA0];
	_ =	sdelay $0x4  }
0xe3: {  	v58 =	vshrl.u32 v3, $0x3  }
0xe4: {  	v4 =	vmul.u32 $0x30, v58  }
0xe5: {  	v3 =	vand.u32 $0x7, v3  }
0xe6: {  	v3 =	vor.u32 v3, v4  }
0xe7: {  	v4 =	vperm.xlane v3, v0;
	_ =	sdelay $0x1  }
0xe8: {  	v4 =	vadd.s32 v1, v4;
	_ =	sdelay $0x3  }
0xe9: {  	v3 =	vperm.xlane v3, v2  }
0xea: {  	[tilespmem:s22], [sflag:$0x1] =	stream.indirect_vreg.gather [hbm4b:s3+s2], $0x80, v4, vm0, $0xb8;
	[tilespmem:$0x18100] =	vst v63  }
0xeb: {  	v3 =	vadd.s32 v1, v3  }
0xec: {  	[tilespmem:s23], [sflag:$0x1] =	stream.indirect_vreg.gather [hbm4b:s4+s2], $0x80, v4, vm0, $0xb8;
	[tilespmem:$0x18100] =	vst v63  }
0xed: {  	_ = 	snop  }
0xee: {  	[tilespmem:s24], [sflag:$0x1] =	stream.indirect_vreg.gather [hbm4b:s5+s2], $0x80, v4, vm0, $0xb8;
	[tilespmem:$0x18100] =	vst v63  }
0xef: {  	_ = 	snop  }
0xf0: {  	[tilespmem:s25], [sflag:$0x1] =	stream.indirect_vreg.gather [hbm4b:s3+s2], $0x80, v3, vm0, $0xb8;
	[tilespmem:$0x18100] =	vst v63  }
0xf1: {  	_ = 	snop  }
0xf2: {  	[tilespmem:s26], [sflag:$0x1] =	stream.indirect_vreg.gather [hbm4b:s4+s2], $0x80, v3, vm0, $0xb8;
	[tilespmem:$0x18100] =	vst v63  }
0xf3: {  	_ = 	snop  }
0xf4: {  	[tilespmem:s28], [sflag:$0x1] =	stream.indirect_vreg.gather [hbm4b:s5+s2], $0x80, v3, vm0, $0xb8;
	[tilespmem:$0x18100] =	vst v63  }
0xf5: {  	v3 =	vld [tilespmem:$0xB0];
	_ =	sdelay $0x4  }
0xf6: {  	v59 =	vshrl.u32 v3, $0x3  }
0xf7: {  	v4 =	vmul.u32 $0x30, v59  }
0xf8: {  	v3 =	vand.u32 $0x7, v3  }
0xf9: {  	v3 =	vor.u32 v3, v4  }
0xfa: {  	v4 =	vperm.xlane v3, v0;
	_ =	sdelay $0x1  }
0xfb: {  	v4 =	vadd.s32 v1, v4;
	_ =	sdelay $0x3  }
0xfc: {  	v3 =	vperm.xlane v3, v2  }
0xfd: {  	[tilespmem:s29], [sflag:$0x1] =	stream.indirect_vreg.gather [hbm4b:s3+s2], $0x80, v4, vm0, $0xb8;
	[tilespmem:$0x18100] =	vst v63  }
0xfe: {  	v3 =	vadd.s32 v1, v3  }
0xff: {  	[tilespmem:s30], [sflag:$0x1] =	stream.indirect_vreg.gather [hbm4b:s4+s2], $0x80, v4, vm0, $0xb8;
	[tilespmem:$0x18100] =	vst v63  }
0x100: {  	_ = 	snop  }
0x101: {  	[tilespmem:s31], [sflag:$0x1] =	stream.indirect_vreg.gather [hbm4b:s5+s2], $0x80, v4, vm0, $0xb8;
	[tilespmem:$0x18100] =	vst v63  }
0x102: {  	_ = 	snop  }
0x103: {  	[tilespmem:s0], [sflag:$0x1] =	stream.indirect_vreg.gather [hbm4b:s3+s2], $0x80, v3, vm0, $0xb8;
	[tilespmem:$0x18100] =	vst v63  }
0x104: {  	_ = 	snop  }
0x105: {  	[tilespmem:s8], [sflag:$0x1] =	stream.indirect_vreg.gather [hbm4b:s4+s2], $0x80, v3, vm0, $0xb8;
	[tilespmem:$0x18100] =	vst v63  }
0x106: {  	s9 =	simm.s32 $0xB900  }
0x107: {  	[tilespmem:s9], [sflag:$0x1] =	stream.indirect_vreg.gather [hbm4b:s5+s2], $0x80, v3, vm0, $0xb8;
	[tilespmem:$0x18100] =	vst v63  }
0x108: {  	v3 =	vld [tilespmem:$0xC0];
	_ =	sdelay $0x4  }
0x109: {  	v60 =	vshrl.u32 v3, $0x3  }
0x10a: {  	v4 =	vmul.u32 $0x30, v60  }
0x10b: {  	v3 =	vand.u32 $0x7, v3  }
0x10c: {  	v3 =	vor.u32 v3, v4  }
0x10d: {  	v4 =	vperm.xlane v3, v0;
	_ =	sdelay $0x1  }
0x10e: {  	v4 =	vadd.s32 v1, v4;
	_ =	sdelay $0x3  }
0x10f: {  	s9 =	simm.s32 $0xC100;
	v3 =	vperm.xlane v3, v2  }
0x110: {  	[tilespmem:s9], [sflag:$0x1] =	stream.indirect_vreg.gather [hbm4b:s3+s2], $0x80, v4, vm0, $0xb8;
	[tilespmem:$0x18100] =	vst v63  }
0x111: {  	v3 =	vadd.s32 v1, v3;
	s9 =	simm.s32 $0xC900  }
0x112: {  	[tilespmem:s9], [sflag:$0x1] =	stream.indirect_vreg.gather [hbm4b:s4+s2], $0x80, v4, vm0, $0xb8;
	[tilespmem:$0x18100] =	vst v63  }
0x113: {  	s9 =	simm.s32 $0xD100  }
0x114: {  	[tilespmem:s9], [sflag:$0x1] =	stream.indirect_vreg.gather [hbm4b:s5+s2], $0x80, v4, vm0, $0xb8;
	[tilespmem:$0x18100] =	vst v63  }
0x115: {  	s9 =	simm.s32 $0xD900  }
0x116: {  	[tilespmem:s9], [sflag:$0x1] =	stream.indirect_vreg.gather [hbm4b:s3+s2], $0x80, v3, vm0, $0xb8;
	[tilespmem:$0x18100] =	vst v63  }
0x117: {  	s9 =	simm.s32 $0xE100  }
0x118: {  	[tilespmem:s9], [sflag:$0x1] =	stream.indirect_vreg.gather [hbm4b:s4+s2], $0x80, v3, vm0, $0xb8;
	[tilespmem:$0x18100] =	vst v63  }
0x119: {  	s9 =	simm.s32 $0xE900  }
0x11a: {  	[tilespmem:s9], [sflag:$0x1] =	stream.indirect_vreg.gather [hbm4b:s5+s2], $0x80, v3, vm0, $0xb8;
	[tilespmem:$0x18100] =	vst v63  }
0x11b: {  	v3 =	vld [tilespmem:$0xD0];
	_ =	sdelay $0x4  }
0x11c: {  	v61 =	vshrl.u32 v3, $0x3  }
0x11d: {  	v4 =	vmul.u32 $0x30, v61  }
0x11e: {  	v3 =	vand.u32 $0x7, v3  }
0x11f: {  	v3 =	vor.u32 v3, v4  }
0x120: {  	v4 =	vperm.xlane v3, v0;
	_ =	sdelay $0x1  }
0x121: {  	v4 =	vadd.s32 v1, v4;
	_ =	sdelay $0x3  }
0x122: {  	s9 =	simm.s32 $0xF100;
	v3 =	vperm.xlane v3, v2  }
0x123: {  	[tilespmem:s9], [sflag:$0x1] =	stream.indirect_vreg.gather [hbm4b:s3+s2], $0x80, v4, vm0, $0xb8;
	[tilespmem:$0x18100] =	vst v63  }
0x124: {  	v3 =	vadd.s32 v1, v3;
	s9 =	simm.s32 $0xF900  }
0x125: {  	[tilespmem:s9], [sflag:$0x1] =	stream.indirect_vreg.gather [hbm4b:s4+s2], $0x80, v4, vm0, $0xb8;
	[tilespmem:$0x18100] =	vst v63  }
0x126: {  	s9 =	simm.s32 $0x10100  }
0x127: {  	[tilespmem:s9], [sflag:$0x1] =	stream.indirect_vreg.gather [hbm4b:s5+s2], $0x80, v4, vm0, $0xb8;
	[tilespmem:$0x18100] =	vst v63  }
0x128: {  	s9 =	simm.s32 $0x10900  }
0x129: {  	[tilespmem:s9], [sflag:$0x1] =	stream.indirect_vreg.gather [hbm4b:s3+s2], $0x80, v3, vm0, $0xb8;
	[tilespmem:$0x18100] =	vst v63  }
0x12a: {  	s9 =	simm.s32 $0x11100  }
0x12b: {  	[tilespmem:s9], [sflag:$0x1] =	stream.indirect_vreg.gather [hbm4b:s4+s2], $0x80, v3, vm0, $0xb8;
	[tilespmem:$0x18100] =	vst v63  }
0x12c: {  	s9 =	simm.s32 $0x11900  }
0x12d: {  	[tilespmem:s9], [sflag:$0x1] =	stream.indirect_vreg.gather [hbm4b:s5+s2], $0x80, v3, vm0, $0xb8;
	[tilespmem:$0x18100] =	vst v63  }
0x12e: {  	v3 =	vld [tilespmem:$0xE0];
	_ =	sdelay $0x4  }
0x12f: {  	v62 =	vshrl.u32 v3, $0x3  }
0x130: {  	v4 =	vmul.u32 $0x30, v62  }
0x131: {  	v3 =	vand.u32 $0x7, v3  }
0x132: {  	v3 =	vor.u32 v3, v4  }
0x133: {  	v4 =	vperm.xlane v3, v0;
	_ =	sdelay $0x1  }
0x134: {  	v4 =	vadd.s32 v1, v4;
	_ =	sdelay $0x3  }
0x135: {  	s9 =	simm.s32 $0x12100;
	v3 =	vperm.xlane v3, v2  }
0x136: {  	[tilespmem:s9], [sflag:$0x1] =	stream.indirect_vreg.gather [hbm4b:s3+s2], $0x80, v4, vm0, $0xb8;
	[tilespmem:$0x18100] =	vst v63  }
0x137: {  	v3 =	vadd.s32 v1, v3;
	s9 =	simm.s32 $0x12900  }
0x138: {  	[tilespmem:s9], [sflag:$0x1] =	stream.indirect_vreg.gather [hbm4b:s4+s2], $0x80, v4, vm0, $0xb8;
	[tilespmem:$0x18100] =	vst v63  }
0x139: {  	s9 =	simm.s32 $0x13100  }
0x13a: {  	[tilespmem:s9], [sflag:$0x1] =	stream.indirect_vreg.gather [hbm4b:s5+s2], $0x80, v4, vm0, $0xb8;
	[tilespmem:$0x18100] =	vst v63  }
0x13b: {  	s9 =	simm.s32 $0x13900  }
0x13c: {  	[tilespmem:s9], [sflag:$0x1] =	stream.indirect_vreg.gather [hbm4b:s3+s2], $0x80, v3, vm0, $0xb8;
	[tilespmem:$0x18100] =	vst v63  }
0x13d: {  	s9 =	simm.s32 $0x14100  }
0x13e: {  	[tilespmem:s9], [sflag:$0x1] =	stream.indirect_vreg.gather [hbm4b:s4+s2], $0x80, v3, vm0, $0xb8;
	[tilespmem:$0x18100] =	vst v63  }
0x13f: {  	s9 =	simm.s32 $0x14900  }
0x140: {  	[tilespmem:s9], [sflag:$0x1] =	stream.indirect_vreg.gather [hbm4b:s5+s2], $0x80, v3, vm0, $0xb8;
	[tilespmem:$0x18100] =	vst v63  }
0x141: {  	v3 =	vld [tilespmem:$0xF0];
	_ =	sdelay $0x4  }
0x142: {  	v63 =	vshrl.u32 v3, $0x3  }
0x143: {  	v4 =	vmul.u32 $0x30, v63  }
0x144: {  	v3 =	vand.u32 $0x7, v3  }
0x145: {  	v3 =	vor.u32 v3, v4  }
0x146: {  	v4 =	vperm.xlane v3, v0;
	_ =	sdelay $0x1  }
0x147: {  	v4 =	vadd.s32 v1, v4;
	_ =	sdelay $0x3  }
0x148: {  	s9 =	simm.s32 $0x15100;
	v3 =	vperm.xlane v3, v2  }
0x149: {  	[tilespmem:s9], [sflag:$0x1] =	stream.indirect_vreg.gather [hbm4b:s3+s2], $0x80, v4, vm0, $0xb8;
	[tilespmem:$0x18100] =	vst v63  }
0x14a: {  	v3 =	vadd.s32 v1, v3;
	s9 =	simm.s32 $0x15900  }
0x14b: {  	[tilespmem:s9], [sflag:$0x1] =	stream.indirect_vreg.gather [hbm4b:s4+s2], $0x80, v4, vm0, $0xb8;
	[tilespmem:$0x18100] =	vst v63  }
0x14c: {  	s9 =	simm.s32 $0x16100  }
0x14d: {  	[tilespmem:s9], [sflag:$0x1] =	stream.indirect_vreg.gather [hbm4b:s5+s2], $0x80, v4, vm0, $0xb8;
	[tilespmem:$0x18100] =	vst v63  }
0x14e: {  	s9 =	simm.s32 $0x16900  }
0x14f: {  	[tilespmem:s9], [sflag:$0x1] =	stream.indirect_vreg.gather [hbm4b:s3+s2], $0x80, v3, vm0, $0xb8;
	[tilespmem:$0x18100] =	vst v63  }
0x150: {  	s9 =	simm.s32 $0x17100  }
0x151: {  	[tilespmem:s9], [sflag:$0x1] =	stream.indirect_vreg.gather [hbm4b:s4+s2], $0x80, v3, vm0, $0xb8;
	[tilespmem:$0x18100] =	vst v63  }
0x152: {  	s9 =	simm.s32 $0x17900  }
0x153: {  	[tilespmem:s9], [sflag:$0x1] =	stream.indirect_vreg.gather [hbm4b:s5+s2], $0x80, v3, vm0, $0xb8;
	[tilespmem:$0x18100] =	vst v63  }
0x154: {  	_ =	swait.ge [sflag:s1], $0x18000  }
0x155: {  	p0 =	sne.s32 s6, $0x1;
	[sflag:s1] =	ssyncset.done $0x0  }
.Ltmp0:
0x156: {  	s0 =	rddreg [dreg:$0x6];
	[sflag:s1] =	ssyncadd.s32 $0xFFFE8000;
	(pc) =	sbr.rel @p0 .LBB2_1-.Ltmp0, $4  }
0x157: {  	[hbm4b:s0+s2] =	stream.linear.scatter [tilespmem:s10], [sflag:$0x2], $0x18000, $0x38;
	[tilespmem:$0x18100] =	vst v63  }
0x158: {  	_ =	swait.ge [sflag:s7], $0x18000  }
0x159: {  	[sflag:s7] =	ssyncset.done $0x0  }
0x15a: {  	s6 =	sadd.s32 $0xFFFFFFFF, s6;
	[sflag:s7] =	ssyncadd.s32 $0xFFFE8000  }
0x15b: {  	_ =	sfence.sel $0x180000  }
0x15c: {  	[bflag:$0x0] =	sbarrier.arrive $0xFFFF  }
0x15d: {  	_ =	strace $0x9000004A  }
0x15e: {  	s0 =	stileid.u32;
	[bflag:$0x2] =	sbarrier.arrive $0xFFFF  }
0x15f: {  	p0 =	sne.s32 s0, $0x0;
	s0 =	rddreg [dreg:$0x2]  }
0x160: {  	s0 =	sadd.s32 @!p0 $0x100000, s0  }
0x161: {  	[sflag:s0] =	ssyncadd.tile.s32 @!p0 $0x1;
	_ =	shalt  }
.Lfunc_end2:
_tile_overlayer_lowered:
.L_overlay_start_2:
0x162: {  	(tag) =	ssettag $0x2  }
0x163: {  	s0 =	rddreg [dreg:$0x0];
	s2 =	stileid.u32  }
0x164: {  	s1 =	rddreg [dreg:$0x1];
	p0 =	sne.s32 s2, $0x0  }
0x165: {  	s3 =	rddreg [dreg:$0x2];
	[bflag:$0x3] =	sbarrier.arrive $0xFFFF;
	s2 =	simm.s32 @!p0 $0x1C02  }
0x166: {  	[timem:s3], [sflag:s2] =	dma.local @!p0 [hbm:s0], s1  }
0x167: {  	s0 =	simm.s32 @!p0 $0x2  }
0x168: {  	_ =	swait.ge @!p0 [sflag:s0], s1  }
0x169: {  	s1 =	ssub.s32 @!p0 $0x0, s1;
	[sflag:s0] =	ssyncset.done @!p0 $0x0  }
0x16a: {  	[sflag:s0] =	ssyncadd.s32 @!p0 s1  }
0x16b: {  	[bflag:$0x3] =	sbarrier.arrive $0xFFFF  }
0x16c: {  	_ =	shalt  }

</sc_bundles>
